<compile_context>
chip_gen: v7x
topology: tpu7x:2x2x1
jax: 0.10.2.dev20260603
libtpu: 0.0.44.dev20260713+nightly
codegen_flags: <defaults>
</compile_context>

<pallas_src>
import functools

import jax
import jax.numpy as jnp
from jax import lax
from jax.experimental import pallas as pl
from jax.experimental.pallas import tpu as pltpu
from jax.experimental.pallas import tpu_sc as plsc

BATCH = 16384
EMB_DIM = 64
NUM_CLASSES = 100000
NUM_CORES = 2
NUM_SUBCORES = 16
NUM_WORKERS = NUM_CORES * NUM_SUBCORES
DIMS_PER_WORKER = EMB_DIM // NUM_WORKERS
FCHUNK = 4096
NUM_FCHUNKS = BATCH // FCHUNK
LANES = 16
VECS_PER_FCHUNK = FCHUNK // LANES


def _body(fT_hbm, lab_hbm, cT_hbm, out_hbm, row_v, lab_v, fbuf0, fbuf1, acc_v,
          rsem, lsem, fsem):
    fbufs = (fbuf0, fbuf1)
    wid = lax.axis_index("s") * NUM_CORES + lax.axis_index("c")
    d0 = wid * DIMS_PER_WORKER

    row_copies = [pltpu.async_copy(cT_hbm.at[d0], row_v, rsem)]
    feat_copies = [
        pltpu.async_copy(fT_hbm.at[d0, pl.ds(0, FCHUNK)], fbuf0, fsem)
    ]
    lcopy = pltpu.async_copy(lab_hbm, lab_v, lsem)
    lcopy.wait()

    acc = jnp.zeros((LANES,), jnp.float32)
    for k in range(DIMS_PER_WORKER):
        d = d0 + k
        for rc in row_copies:
            rc.wait()
        for c in range(NUM_FCHUNKS):
            g = k * NUM_FCHUNKS + c
            if c + 1 < NUM_FCHUNKS:
                feat_copies.append(
                    pltpu.async_copy(
                        fT_hbm.at[d, pl.ds((c + 1) * FCHUNK, FCHUNK)],
                        fbufs[(g + 1) % 2], fsem))
            elif k + 1 < DIMS_PER_WORKER:
                feat_copies.append(
                    pltpu.async_copy(
                        fT_hbm.at[d + 1, pl.ds(0, FCHUNK)],
                        fbufs[(g + 1) % 2], fsem))
            feat_copies[g].wait()
            fb = fbufs[g % 2]
            base = c * FCHUNK

            def chunk(i, acc, fb=fb, base=base):
                idx = lab_v[pl.ds(base + i * LANES, LANES)]
                cv = plsc.load_gather(row_v, [idx])
                fv = fb[pl.ds(i * LANES, LANES)]
                dv = fv - cv
                return acc + dv * dv

            acc = lax.fori_loop(0, VECS_PER_FCHUNK, chunk, acc, unroll=4)
        if k + 1 < DIMS_PER_WORKER:
            row_copies = [pltpu.async_copy(cT_hbm.at[d + 1], row_v, rsem)]

    acc_v[...] = acc
    pltpu.sync_copy(acc_v, out_hbm.at[wid])


@jax.jit
def _center_loss(features, labels, centers):
    fT = features.T
    cT = centers.T
    lab = labels.astype(jnp.int32)
    mesh = plsc.VectorSubcoreMesh(core_axis_name="c", subcore_axis_name="s")
    partials = pl.kernel(
        _body,
        out_type=jax.ShapeDtypeStruct((NUM_WORKERS, LANES), jnp.float32),
        mesh=mesh,
        scratch_types=[
            pltpu.VMEM((NUM_CLASSES,), jnp.float32),
            pltpu.VMEM((BATCH,), jnp.int32),
            pltpu.VMEM((FCHUNK,), jnp.float32),
            pltpu.VMEM((FCHUNK,), jnp.float32),
            pltpu.VMEM((LANES,), jnp.float32),
            pltpu.SemaphoreType.DMA,
            pltpu.SemaphoreType.DMA,
            pltpu.SemaphoreType.DMA,
        ],
        compiler_params=pltpu.CompilerParams(needs_layout_passes=False),
    )(fT, lab, cT)
    return jnp.sum(partials) / (2.0 * features.shape[0])


def kernel(features, labels, centers):
    return _center_loss(features, labels, centers)

# --- scband reference (transcript-rebuilt; emitter-appended) ---
"""Pipeline reference for scband-center-loss-9517647528232 (READ-ONLY COPY).

The authoritative reference and input builder live on the scoring server;
editing this copy changes nothing except your own understanding.
"""

import jax, jax.numpy as jnp
import numpy as np

BATCH = 16384
NUM_CLASSES = 100000
EMB_DIM = 64


def setup_inputs(seed: int = 0) -> dict:
    key = jax.random.key(seed)
    k1, k2, k3 = jax.random.split(key, 3)
    features = jax.random.normal(k1, (BATCH, EMB_DIM), dtype=jnp.float32)
    labels = jax.random.randint(k2, (BATCH,), 0, NUM_CLASSES, dtype=jnp.int64 if jax.config.jax_enable_x64 else jnp.int32)
    centers = jax.random.normal(k3, (NUM_CLASSES, EMB_DIM), dtype=jnp.float32)
    return {"features": features, "labels": labels, "centers": centers}


def reference(features, labels, centers):
    batch_size = features.shape[0]
    feats = features.reshape(batch_size, -1)
    # centers.index_select(0, labels) -> gather rows of the center table
    centers_batch = jnp.take(centers, labels, axis=0)
    loss = jnp.sum(jnp.square(feats - centers_batch)) / 2.0 / jnp.asarray(batch_size, dtype=feats.dtype)
    return loss

if __name__ == "__main__":
    import jax
    _d = setup_inputs()
    print(jax.jit(kernel)(*tuple(_d.values())))

</pallas_src>

<mosaic_0001>
#map = affine_map<(d0, d1) -> (0, 0)>
#map1 = affine_map<(d0, d1) -> (0)>
module attributes {stable_mosaic.version = 14 : i64} {
  func.func @_body(%arg0: i32, %arg1: i32, %arg2: memref<64x16384xf32, #tpu.memory_space<hbm>>, %arg3: memref<16384xi32, #tpu.memory_space<hbm>>, %arg4: memref<64x100000xf32, #tpu.memory_space<hbm>>, %arg5: memref<32x16xf32, #tpu.memory_space<hbm>>, %arg6: memref<100000xf32, #tpu.memory_space<vmem>>, %arg7: memref<16384xi32, #tpu.memory_space<vmem>>, %arg8: memref<4096xf32, #tpu.memory_space<vmem>>, %arg9: memref<4096xf32, #tpu.memory_space<vmem>>, %arg10: memref<16xf32, #tpu.memory_space<vmem>>, %arg11: memref<!tpu.dma_semaphore, #tpu.memory_space<semaphore_mem>>, %arg12: memref<!tpu.dma_semaphore, #tpu.memory_space<semaphore_mem>>, %arg13: memref<!tpu.dma_semaphore, #tpu.memory_space<semaphore_mem>>) attributes {dimension_semantics = [#tpu.dimension_semantics<core_parallel>, #tpu.dimension_semantics<subcore_parallel>], iteration_bounds = array<i64: 2, 16>, scalar_prefetch = 0 : i64, scratch_operands = 8 : i64, tpu.core_type = #tpu.core_type<sc_vector_subcore>, window_params = [{transform_indices = #map}, {transform_indices = #map1}, {transform_indices = #map}, {transform_indices = #map}]} {
    %mul3A = arith.constant 2 : i32
    %mul3A_0 = arith.muli %arg1, %mul3A : i32
    %add3A = arith.addi %mul3A_0, %arg0 : i32
    %mul3A_1 = arith.constant 2 : i32
    %mul3A_2 = arith.muli %add3A, %mul3A_1 : i32
    %dma_start3A = arith.constant 0 : i32
    %dma_start3A_3 = tpu.memref_slice %arg4[%mul3A_2, %dma_start3A] : memref<64x100000xf32, #tpu.memory_space<hbm>> -> memref<1x100000xf32, #tpu.memory_space<hbm>>
    %dma_start3A_4 = tpu.memref_squeeze %dma_start3A_3 : memref<1x100000xf32, #tpu.memory_space<hbm>> -> memref<100000xf32, #tpu.memory_space<hbm>>
    %dma_start3A_5 = arith.constant 0 : i32
    %dma_start3A_6 = tpu.memref_slice %arg4[%mul3A_2, %dma_start3A_5] : memref<64x100000xf32, #tpu.memory_space<hbm>> -> memref<1x100000xf32, #tpu.memory_space<hbm>>
    %dma_start3A_7 = tpu.memref_squeeze %dma_start3A_6 : memref<1x100000xf32, #tpu.memory_space<hbm>> -> memref<100000xf32, #tpu.memory_space<hbm>>
    tpu.enqueue_dma source(%dma_start3A_7 : memref<100000xf32, #tpu.memory_space<hbm>>) target(%arg6 : memref<100000xf32, #tpu.memory_space<vmem>>) target_semaphore(%arg11 : memref<!tpu.dma_semaphore, #tpu.memory_space<semaphore_mem>>)
    %dma_start3A_8 = arith.constant 0 : i32
    %dma_start3A_9 = tpu.memref_slice %arg2[%mul3A_2, %dma_start3A_8] : memref<64x16384xf32, #tpu.memory_space<hbm>> -> memref<1x4096xf32, #tpu.memory_space<hbm>>
    %dma_start3A_10 = tpu.memref_squeeze %dma_start3A_9 : memref<1x4096xf32, #tpu.memory_space<hbm>> -> memref<4096xf32, #tpu.memory_space<hbm>>
    %dma_start3A_11 = arith.constant 0 : i32
    %dma_start3A_12 = tpu.memref_slice %arg2[%mul3A_2, %dma_start3A_11] : memref<64x16384xf32, #tpu.memory_space<hbm>> -> memref<1x4096xf32, #tpu.memory_space<hbm>>
    %dma_start3A_13 = tpu.memref_squeeze %dma_start3A_12 : memref<1x4096xf32, #tpu.memory_space<hbm>> -> memref<4096xf32, #tpu.memory_space<hbm>>
    tpu.enqueue_dma source(%dma_start3A_13 : memref<4096xf32, #tpu.memory_space<hbm>>) target(%arg8 : memref<4096xf32, #tpu.memory_space<vmem>>) target_semaphore(%arg13 : memref<!tpu.dma_semaphore, #tpu.memory_space<semaphore_mem>>)
    tpu.enqueue_dma source(%arg3 : memref<16384xi32, #tpu.memory_space<hbm>>) target(%arg7 : memref<16384xi32, #tpu.memory_space<vmem>>) target_semaphore(%arg12 : memref<!tpu.dma_semaphore, #tpu.memory_space<semaphore_mem>>)
    tpu.wait_dma2 semaphore(%arg12 : memref<!tpu.dma_semaphore, #tpu.memory_space<semaphore_mem>>) src(%arg3 : memref<16384xi32, #tpu.memory_space<hbm>>) dst(%arg7 : memref<16384xi32, #tpu.memory_space<vmem>>)
    %broadcast_in_dim3A = arith.constant 0.000000e+00 : f32
    %broadcast_in_dim3A_14 = vector.broadcast %broadcast_in_dim3A : f32 to vector<16xf32>
    %add3A_15 = arith.constant 0 : i32
    %add3A_16 = arith.addi %mul3A_2, %add3A_15 : i32
    %dma_wait3A = arith.constant 0 : i32
    %dma_wait3A_17 = tpu.memref_slice %arg4[%mul3A_2, %dma_wait3A] : memref<64x100000xf32, #tpu.memory_space<hbm>> -> memref<1x100000xf32, #tpu.memory_space<hbm>>
    %dma_wait3A_18 = tpu.memref_squeeze %dma_wait3A_17 : memref<1x100000xf32, #tpu.memory_space<hbm>> -> memref<100000xf32, #tpu.memory_space<hbm>>
    %dma_wait3A_19 = arith.constant 0 : i32
    %dma_wait3A_20 = tpu.memref_slice %arg4[%mul3A_2, %dma_wait3A_19] : memref<64x100000xf32, #tpu.memory_space<hbm>> -> memref<1x100000xf32, #tpu.memory_space<hbm>>
    %dma_wait3A_21 = tpu.memref_squeeze %dma_wait3A_20 : memref<1x100000xf32, #tpu.memory_space<hbm>> -> memref<100000xf32, #tpu.memory_space<hbm>>
    tpu.wait_dma2 semaphore(%arg11 : memref<!tpu.dma_semaphore, #tpu.memory_space<semaphore_mem>>) src(%dma_wait3A_21 : memref<100000xf32, #tpu.memory_space<hbm>>) dst(%arg6 : memref<100000xf32, #tpu.memory_space<vmem>>)
    %dma_start3A_22 = arith.constant 4096 : i32
    %dma_start3A_23 = tpu.memref_slice %arg2[%add3A_16, %dma_start3A_22] : memref<64x16384xf32, #tpu.memory_space<hbm>> -> memref<1x4096xf32, #tpu.memory_space<hbm>>
    %dma_start3A_24 = tpu.memref_squeeze %dma_start3A_23 : memref<1x4096xf32, #tpu.memory_space<hbm>> -> memref<4096xf32, #tpu.memory_space<hbm>>
    %dma_start3A_25 = arith.constant 4096 : i32
    %dma_start3A_26 = tpu.memref_slice %arg2[%add3A_16, %dma_start3A_25] : memref<64x16384xf32, #tpu.memory_space<hbm>> -> memref<1x4096xf32, #tpu.memory_space<hbm>>
    %dma_start3A_27 = tpu.memref_squeeze %dma_start3A_26 : memref<1x4096xf32, #tpu.memory_space<hbm>> -> memref<4096xf32, #tpu.memory_space<hbm>>
    tpu.enqueue_dma source(%dma_start3A_27 : memref<4096xf32, #tpu.memory_space<hbm>>) target(%arg9 : memref<4096xf32, #tpu.memory_space<vmem>>) target_semaphore(%arg13 : memref<!tpu.dma_semaphore, #tpu.memory_space<semaphore_mem>>)
    %dma_wait3A_28 = arith.constant 0 : i32
    %dma_wait3A_29 = tpu.memref_slice %arg2[%mul3A_2, %dma_wait3A_28] : memref<64x16384xf32, #tpu.memory_space<hbm>> -> memref<1x4096xf32, #tpu.memory_space<hbm>>
    %dma_wait3A_30 = tpu.memref_squeeze %dma_wait3A_29 : memref<1x4096xf32, #tpu.memory_space<hbm>> -> memref<4096xf32, #tpu.memory_space<hbm>>
    %dma_wait3A_31 = arith.constant 0 : i32
    %dma_wait3A_32 = tpu.memref_slice %arg2[%mul3A_2, %dma_wait3A_31] : memref<64x16384xf32, #tpu.memory_space<hbm>> -> memref<1x4096xf32, #tpu.memory_space<hbm>>
    %dma_wait3A_33 = tpu.memref_squeeze %dma_wait3A_32 : memref<1x4096xf32, #tpu.memory_space<hbm>> -> memref<4096xf32, #tpu.memory_space<hbm>>
    tpu.wait_dma2 semaphore(%arg13 : memref<!tpu.dma_semaphore, #tpu.memory_space<semaphore_mem>>) src(%dma_wait3A_33 : memref<4096xf32, #tpu.memory_space<hbm>>) dst(%arg8 : memref<4096xf32, #tpu.memory_space<vmem>>)
    %scan3A = arith.constant 0 : i32
    %scan3A_34 = arith.constant 256 : i32
    %scan3A_35 = arith.addi %scan3A, %scan3A_34 : i32
    %scan3A_36 = arith.constant 4 : i32
    %scan3A_37 = scf.for %scan3A_178 = %scan3A to %scan3A_35 step %scan3A_36 iter_args(%scan3A_179 = %broadcast_in_dim3A_14) -> (vector<16xf32>)  : i32 {
      %mul3A_180 = arith.constant 16 : i32
      %mul3A_181 = arith.muli %scan3A_178, %mul3A_180 : i32
      %add3A_182 = arith.constant 0 : i32
      %add3A_183 = arith.addi %add3A_182, %mul3A_181 : i32
      %get3A = arith.index_cast %add3A_183 : i32 to index
      %get3A_184 = tpu.vector_load %arg7[%get3A] {strides = array<i32>} : memref<16384xi32, #tpu.memory_space<vmem>>, vector<16xi32>,
      %gather3A = tpu.vector_load_idx %arg6[%get3A_184] : memref<100000xf32, #tpu.memory_space<vmem>>[vector<16xi32>], vector<16xf32>,
      %mul3A_185 = arith.constant 16 : i32
      %mul3A_186 = arith.muli %scan3A_178, %mul3A_185 : i32
      %get3A_187 = arith.index_cast %mul3A_186 : i32 to index
      %get3A_188 = tpu.vector_load %arg8[%get3A_187] {strides = array<i32>} : memref<4096xf32, #tpu.memory_space<vmem>>, vector<16xf32>,
      %sub3A = arith.subf %get3A_188, %gather3A : vector<16xf32>
      %mul3A_189 = arith.mulf %sub3A, %sub3A : vector<16xf32>
      %add3A_190 = arith.addf %scan3A_179, %mul3A_189 : vector<16xf32>
      %scan3A_191 = arith.constant 1 : i32
      %scan3A_192 = arith.addi %scan3A_178, %scan3A_191 : i32
      %mul3A_193 = arith.constant 16 : i32
      %mul3A_194 = arith.muli %scan3A_192, %mul3A_193 : i32
      %add3A_195 = arith.constant 0 : i32
      %add3A_196 = arith.addi %add3A_195, %mul3A_194 : i32
      %get3A_197 = arith.index_cast %add3A_196 : i32 to index
      %get3A_198 = tpu.vector_load %arg7[%get3A_197] {strides = array<i32>} : memref<16384xi32, #tpu.memory_space<vmem>>, vector<16xi32>,
      %gather3A_199 = tpu.vector_load_idx %arg6[%get3A_198] : memref<100000xf32, #tpu.memory_space<vmem>>[vector<16xi32>], vector<16xf32>,
      %mul3A_200 = arith.constant 16 : i32
      %mul3A_201 = arith.muli %scan3A_192, %mul3A_200 : i32
      %get3A_202 = arith.index_cast %mul3A_201 : i32 to index
      %get3A_203 = tpu.vector_load %arg8[%get3A_202] {strides = array<i32>} : memref<4096xf32, #tpu.memory_space<vmem>>, vector<16xf32>,
      %sub3A_204 = arith.subf %get3A_203, %gather3A_199 : vector<16xf32>
      %mul3A_205 = arith.mulf %sub3A_204, %sub3A_204 : vector<16xf32>
      %add3A_206 = arith.addf %add3A_190, %mul3A_205 : vector<16xf32>
      %scan3A_207 = arith.constant 2 : i32
      %scan3A_208 = arith.addi %scan3A_178, %scan3A_207 : i32
      %mul3A_209 = arith.constant 16 : i32
      %mul3A_210 = arith.muli %scan3A_208, %mul3A_209 : i32
      %add3A_211 = arith.constant 0 : i32
      %add3A_212 = arith.addi %add3A_211, %mul3A_210 : i32
      %get3A_213 = arith.index_cast %add3A_212 : i32 to index
      %get3A_214 = tpu.vector_load %arg7[%get3A_213] {strides = array<i32>} : memref<16384xi32, #tpu.memory_space<vmem>>, vector<16xi32>,
      %gather3A_215 = tpu.vector_load_idx %arg6[%get3A_214] : memref<100000xf32, #tpu.memory_space<vmem>>[vector<16xi32>], vector<16xf32>,
      %mul3A_216 = arith.constant 16 : i32
      %mul3A_217 = arith.muli %scan3A_208, %mul3A_216 : i32
      %get3A_218 = arith.index_cast %mul3A_217 : i32 to index
      %get3A_219 = tpu.vector_load %arg8[%get3A_218] {strides = array<i32>} : memref<4096xf32, #tpu.memory_space<vmem>>, vector<16xf32>,
      %sub3A_220 = arith.subf %get3A_219, %gather3A_215 : vector<16xf32>
      %mul3A_221 = arith.mulf %sub3A_220, %sub3A_220 : vector<16xf32>
      %add3A_222 = arith.addf %add3A_206, %mul3A_221 : vector<16xf32>
      %scan3A_223 = arith.constant 3 : i32
      %scan3A_224 = arith.addi %scan3A_178, %scan3A_223 : i32
      %mul3A_225 = arith.constant 16 : i32
      %mul3A_226 = arith.muli %scan3A_224, %mul3A_225 : i32
      %add3A_227 = arith.constant 0 : i32
      %add3A_228 = arith.addi %add3A_227, %mul3A_226 : i32
      %get3A_229 = arith.index_cast %add3A_228 : i32 to index
      %get3A_230 = tpu.vector_load %arg7[%get3A_229] {strides = array<i32>} : memref<16384xi32, #tpu.memory_space<vmem>>, vector<16xi32>,
      %gather3A_231 = tpu.vector_load_idx %arg6[%get3A_230] : memref<100000xf32, #tpu.memory_space<vmem>>[vector<16xi32>], vector<16xf32>,
      %mul3A_232 = arith.constant 16 : i32
      %mul3A_233 = arith.muli %scan3A_224, %mul3A_232 : i32
      %get3A_234 = arith.index_cast %mul3A_233 : i32 to index
      %get3A_235 = tpu.vector_load %arg8[%get3A_234] {strides = array<i32>} : memref<4096xf32, #tpu.memory_space<vmem>>, vector<16xf32>,
      %sub3A_236 = arith.subf %get3A_235, %gather3A_231 : vector<16xf32>
      %mul3A_237 = arith.mulf %sub3A_236, %sub3A_236 : vector<16xf32>
      %add3A_238 = arith.addf %add3A_222, %mul3A_237 : vector<16xf32>
      scf.yield %add3A_238 : vector<16xf32>
    }
    %scan3A_38 = arith.constant 256 : i32
    %dma_start3A_39 = arith.constant 8192 : i32
    %dma_start3A_40 = tpu.memref_slice %arg2[%add3A_16, %dma_start3A_39] : memref<64x16384xf32, #tpu.memory_space<hbm>> -> memref<1x4096xf32, #tpu.memory_space<hbm>>
    %dma_start3A_41 = tpu.memref_squeeze %dma_start3A_40 : memref<1x4096xf32, #tpu.memory_space<hbm>> -> memref<4096xf32, #tpu.memory_space<hbm>>
    %dma_start3A_42 = arith.constant 8192 : i32
    %dma_start3A_43 = tpu.memref_slice %arg2[%add3A_16, %dma_start3A_42] : memref<64x16384xf32, #tpu.memory_space<hbm>> -> memref<1x4096xf32, #tpu.memory_space<hbm>>
    %dma_start3A_44 = tpu.memref_squeeze %dma_start3A_43 : memref<1x4096xf32, #tpu.memory_space<hbm>> -> memref<4096xf32, #tpu.memory_space<hbm>>
    tpu.enqueue_dma source(%dma_start3A_44 : memref<4096xf32, #tpu.memory_space<hbm>>) target(%arg8 : memref<4096xf32, #tpu.memory_space<vmem>>) target_semaphore(%arg13 : memref<!tpu.dma_semaphore, #tpu.memory_space<semaphore_mem>>)
    %dma_wait3A_45 = arith.constant 4096 : i32
    %dma_wait3A_46 = tpu.memref_slice %arg2[%add3A_16, %dma_wait3A_45] : memref<64x16384xf32, #tpu.memory_space<hbm>> -> memref<1x4096xf32, #tpu.memory_space<hbm>>
    %dma_wait3A_47 = tpu.memref_squeeze %dma_wait3A_46 : memref<1x4096xf32, #tpu.memory_space<hbm>> -> memref<4096xf32, #tpu.memory_space<hbm>>
    %dma_wait3A_48 = arith.constant 4096 : i32
    %dma_wait3A_49 = tpu.memref_slice %arg2[%add3A_16, %dma_wait3A_48] : memref<64x16384xf32, #tpu.memory_space<hbm>> -> memref<1x4096xf32, #tpu.memory_space<hbm>>
    %dma_wait3A_50 = tpu.memref_squeeze %dma_wait3A_49 : memref<1x4096xf32, #tpu.memory_space<hbm>> -> memref<4096xf32, #tpu.memory_space<hbm>>
    tpu.wait_dma2 semaphore(%arg13 : memref<!tpu.dma_semaphore, #tpu.memory_space<semaphore_mem>>) src(%dma_wait3A_50 : memref<4096xf32, #tpu.memory_space<hbm>>) dst(%arg9 : memref<4096xf32, #tpu.memory_space<vmem>>)
    %scan3A_51 = arith.constant 0 : i32
    %scan3A_52 = arith.constant 256 : i32
    %scan3A_53 = arith.addi %scan3A_51, %scan3A_52 : i32
    %scan3A_54 = arith.constant 4 : i32
    %scan3A_55 = scf.for %scan3A_178 = %scan3A_51 to %scan3A_53 step %scan3A_54 iter_args(%scan3A_179 = %scan3A_37) -> (vector<16xf32>)  : i32 {
      %mul3A_180 = arith.constant 16 : i32
      %mul3A_181 = arith.muli %scan3A_178, %mul3A_180 : i32
      %add3A_182 = arith.constant 4096 : i32
      %add3A_183 = arith.addi %add3A_182, %mul3A_181 : i32
      %get3A = arith.index_cast %add3A_183 : i32 to index
      %get3A_184 = tpu.vector_load %arg7[%get3A] {strides = array<i32>} : memref<16384xi32, #tpu.memory_space<vmem>>, vector<16xi32>,
      %gather3A = tpu.vector_load_idx %arg6[%get3A_184] : memref<100000xf32, #tpu.memory_space<vmem>>[vector<16xi32>], vector<16xf32>,
      %mul3A_185 = arith.constant 16 : i32
      %mul3A_186 = arith.muli %scan3A_178, %mul3A_185 : i32
      %get3A_187 = arith.index_cast %mul3A_186 : i32 to index
      %get3A_188 = tpu.vector_load %arg9[%get3A_187] {strides = array<i32>} : memref<4096xf32, #tpu.memory_space<vmem>>, vector<16xf32>,
      %sub3A = arith.subf %get3A_188, %gather3A : vector<16xf32>
      %mul3A_189 = arith.mulf %sub3A, %sub3A : vector<16xf32>
      %add3A_190 = arith.addf %scan3A_179, %mul3A_189 : vector<16xf32>
      %scan3A_191 = arith.constant 1 : i32
      %scan3A_192 = arith.addi %scan3A_178, %scan3A_191 : i32
      %mul3A_193 = arith.constant 16 : i32
      %mul3A_194 = arith.muli %scan3A_192, %mul3A_193 : i32
      %add3A_195 = arith.constant 4096 : i32
      %add3A_196 = arith.addi %add3A_195, %mul3A_194 : i32
      %get3A_197 = arith.index_cast %add3A_196 : i32 to index
      %get3A_198 = tpu.vector_load %arg7[%get3A_197] {strides = array<i32>} : memref<16384xi32, #tpu.memory_space<vmem>>, vector<16xi32>,
      %gather3A_199 = tpu.vector_load_idx %arg6[%get3A_198] : memref<100000xf32, #tpu.memory_space<vmem>>[vector<16xi32>], vector<16xf32>,
      %mul3A_200 = arith.constant 16 : i32
      %mul3A_201 = arith.muli %scan3A_192, %mul3A_200 : i32
      %get3A_202 = arith.index_cast %mul3A_201 : i32 to index
      %get3A_203 = tpu.vector_load %arg9[%get3A_202] {strides = array<i32>} : memref<4096xf32, #tpu.memory_space<vmem>>, vector<16xf32>,
      %sub3A_204 = arith.subf %get3A_203, %gather3A_199 : vector<16xf32>
      %mul3A_205 = arith.mulf %sub3A_204, %sub3A_204 : vector<16xf32>
      %add3A_206 = arith.addf %add3A_190, %mul3A_205 : vector<16xf32>
      %scan3A_207 = arith.constant 2 : i32
      %scan3A_208 = arith.addi %scan3A_178, %scan3A_207 : i32
      %mul3A_209 = arith.constant 16 : i32
      %mul3A_210 = arith.muli %scan3A_208, %mul3A_209 : i32
      %add3A_211 = arith.constant 4096 : i32
      %add3A_212 = arith.addi %add3A_211, %mul3A_210 : i32
      %get3A_213 = arith.index_cast %add3A_212 : i32 to index
      %get3A_214 = tpu.vector_load %arg7[%get3A_213] {strides = array<i32>} : memref<16384xi32, #tpu.memory_space<vmem>>, vector<16xi32>,
      %gather3A_215 = tpu.vector_load_idx %arg6[%get3A_214] : memref<100000xf32, #tpu.memory_space<vmem>>[vector<16xi32>], vector<16xf32>,
      %mul3A_216 = arith.constant 16 : i32
      %mul3A_217 = arith.muli %scan3A_208, %mul3A_216 : i32
      %get3A_218 = arith.index_cast %mul3A_217 : i32 to index
      %get3A_219 = tpu.vector_load %arg9[%get3A_218] {strides = array<i32>} : memref<4096xf32, #tpu.memory_space<vmem>>, vector<16xf32>,
      %sub3A_220 = arith.subf %get3A_219, %gather3A_215 : vector<16xf32>
      %mul3A_221 = arith.mulf %sub3A_220, %sub3A_220 : vector<16xf32>
      %add3A_222 = arith.addf %add3A_206, %mul3A_221 : vector<16xf32>
      %scan3A_223 = arith.constant 3 : i32
      %scan3A_224 = arith.addi %scan3A_178, %scan3A_223 : i32
      %mul3A_225 = arith.constant 16 : i32
      %mul3A_226 = arith.muli %scan3A_224, %mul3A_225 : i32
      %add3A_227 = arith.constant 4096 : i32
      %add3A_228 = arith.addi %add3A_227, %mul3A_226 : i32
      %get3A_229 = arith.index_cast %add3A_228 : i32 to index
      %get3A_230 = tpu.vector_load %arg7[%get3A_229] {strides = array<i32>} : memref<16384xi32, #tpu.memory_space<vmem>>, vector<16xi32>,
      %gather3A_231 = tpu.vector_load_idx %arg6[%get3A_230] : memref<100000xf32, #tpu.memory_space<vmem>>[vector<16xi32>], vector<16xf32>,
      %mul3A_232 = arith.constant 16 : i32
      %mul3A_233 = arith.muli %scan3A_224, %mul3A_232 : i32
      %get3A_234 = arith.index_cast %mul3A_233 : i32 to index
      %get3A_235 = tpu.vector_load %arg9[%get3A_234] {strides = array<i32>} : memref<4096xf32, #tpu.memory_space<vmem>>, vector<16xf32>,
      %sub3A_236 = arith.subf %get3A_235, %gather3A_231 : vector<16xf32>
      %mul3A_237 = arith.mulf %sub3A_236, %sub3A_236 : vector<16xf32>
      %add3A_238 = arith.addf %add3A_222, %mul3A_237 : vector<16xf32>
      scf.yield %add3A_238 : vector<16xf32>
    }
    %scan3A_56 = arith.constant 256 : i32
    %dma_start3A_57 = arith.constant 12288 : i32
    %dma_start3A_58 = tpu.memref_slice %arg2[%add3A_16, %dma_start3A_57] : memref<64x16384xf32, #tpu.memory_space<hbm>> -> memref<1x4096xf32, #tpu.memory_space<hbm>>
    %dma_start3A_59 = tpu.memref_squeeze %dma_start3A_58 : memref<1x4096xf32, #tpu.memory_space<hbm>> -> memref<4096xf32, #tpu.memory_space<hbm>>
    %dma_start3A_60 = arith.constant 12288 : i32
    %dma_start3A_61 = tpu.memref_slice %arg2[%add3A_16, %dma_start3A_60] : memref<64x16384xf32, #tpu.memory_space<hbm>> -> memref<1x4096xf32, #tpu.memory_space<hbm>>
    %dma_start3A_62 = tpu.memref_squeeze %dma_start3A_61 : memref<1x4096xf32, #tpu.memory_space<hbm>> -> memref<4096xf32, #tpu.memory_space<hbm>>
    tpu.enqueue_dma source(%dma_start3A_62 : memref<4096xf32, #tpu.memory_space<hbm>>) target(%arg9 : memref<4096xf32, #tpu.memory_space<vmem>>) target_semaphore(%arg13 : memref<!tpu.dma_semaphore, #tpu.memory_space<semaphore_mem>>)
    %dma_wait3A_63 = arith.constant 8192 : i32
    %dma_wait3A_64 = tpu.memref_slice %arg2[%add3A_16, %dma_wait3A_63] : memref<64x16384xf32, #tpu.memory_space<hbm>> -> memref<1x4096xf32, #tpu.memory_space<hbm>>
    %dma_wait3A_65 = tpu.memref_squeeze %dma_wait3A_64 : memref<1x4096xf32, #tpu.memory_space<hbm>> -> memref<4096xf32, #tpu.memory_space<hbm>>
    %dma_wait3A_66 = arith.constant 8192 : i32
    %dma_wait3A_67 = tpu.memref_slice %arg2[%add3A_16, %dma_wait3A_66] : memref<64x16384xf32, #tpu.memory_space<hbm>> -> memref<1x4096xf32, #tpu.memory_space<hbm>>
    %dma_wait3A_68 = tpu.memref_squeeze %dma_wait3A_67 : memref<1x4096xf32, #tpu.memory_space<hbm>> -> memref<4096xf32, #tpu.memory_space<hbm>>
    tpu.wait_dma2 semaphore(%arg13 : memref<!tpu.dma_semaphore, #tpu.memory_space<semaphore_mem>>) src(%dma_wait3A_68 : memref<4096xf32, #tpu.memory_space<hbm>>) dst(%arg8 : memref<4096xf32, #tpu.memory_space<vmem>>)
    %scan3A_69 = arith.constant 0 : i32
    %scan3A_70 = arith.constant 256 : i32
    %scan3A_71 = arith.addi %scan3A_69, %scan3A_70 : i32
    %scan3A_72 = arith.constant 4 : i32
    %scan3A_73 = scf.for %scan3A_178 = %scan3A_69 to %scan3A_71 step %scan3A_72 iter_args(%scan3A_179 = %scan3A_55) -> (vector<16xf32>)  : i32 {
      %mul3A_180 = arith.constant 16 : i32
      %mul3A_181 = arith.muli %scan3A_178, %mul3A_180 : i32
      %add3A_182 = arith.constant 8192 : i32
      %add3A_183 = arith.addi %add3A_182, %mul3A_181 : i32
      %get3A = arith.index_cast %add3A_183 : i32 to index
      %get3A_184 = tpu.vector_load %arg7[%get3A] {strides = array<i32>} : memref<16384xi32, #tpu.memory_space<vmem>>, vector<16xi32>,
      %gather3A = tpu.vector_load_idx %arg6[%get3A_184] : memref<100000xf32, #tpu.memory_space<vmem>>[vector<16xi32>], vector<16xf32>,
      %mul3A_185 = arith.constant 16 : i32
      %mul3A_186 = arith.muli %scan3A_178, %mul3A_185 : i32
      %get3A_187 = arith.index_cast %mul3A_186 : i32 to index
      %get3A_188 = tpu.vector_load %arg8[%get3A_187] {strides = array<i32>} : memref<4096xf32, #tpu.memory_space<vmem>>, vector<16xf32>,
      %sub3A = arith.subf %get3A_188, %gather3A : vector<16xf32>
      %mul3A_189 = arith.mulf %sub3A, %sub3A : vector<16xf32>
      %add3A_190 = arith.addf %scan3A_179, %mul3A_189 : vector<16xf32>
      %scan3A_191 = arith.constant 1 : i32
      %scan3A_192 = arith.addi %scan3A_178, %scan3A_191 : i32
      %mul3A_193 = arith.constant 16 : i32
      %mul3A_194 = arith.muli %scan3A_192, %mul3A_193 : i32
      %add3A_195 = arith.constant 8192 : i32
      %add3A_196 = arith.addi %add3A_195, %mul3A_194 : i32
      %get3A_197 = arith.index_cast %add3A_196 : i32 to index
      %get3A_198 = tpu.vector_load %arg7[%get3A_197] {strides = array<i32>} : memref<16384xi32, #tpu.memory_space<vmem>>, vector<16xi32>,
      %gather3A_199 = tpu.vector_load_idx %arg6[%get3A_198] : memref<100000xf32, #tpu.memory_space<vmem>>[vector<16xi32>], vector<16xf32>,
      %mul3A_200 = arith.constant 16 : i32
      %mul3A_201 = arith.muli %scan3A_192, %mul3A_200 : i32
      %get3A_202 = arith.index_cast %mul3A_201 : i32 to index
      %get3A_203 = tpu.vector_load %arg8[%get3A_202] {strides = array<i32>} : memref<4096xf32, #tpu.memory_space<vmem>>, vector<16xf32>,
      %sub3A_204 = arith.subf %get3A_203, %gather3A_199 : vector<16xf32>
      %mul3A_205 = arith.mulf %sub3A_204, %sub3A_204 : vector<16xf32>
      %add3A_206 = arith.addf %add3A_190, %mul3A_205 : vector<16xf32>
      %scan3A_207 = arith.constant 2 : i32
      %scan3A_208 = arith.addi %scan3A_178, %scan3A_207 : i32
      %mul3A_209 = arith.constant 16 : i32
      %mul3A_210 = arith.muli %scan3A_208, %mul3A_209 : i32
      %add3A_211 = arith.constant 8192 : i32
      %add3A_212 = arith.addi %add3A_211, %mul3A_210 : i32
      %get3A_213 = arith.index_cast %add3A_212 : i32 to index
      %get3A_214 = tpu.vector_load %arg7[%get3A_213] {strides = array<i32>} : memref<16384xi32, #tpu.memory_space<vmem>>, vector<16xi32>,
      %gather3A_215 = tpu.vector_load_idx %arg6[%get3A_214] : memref<100000xf32, #tpu.memory_space<vmem>>[vector<16xi32>], vector<16xf32>,
      %mul3A_216 = arith.constant 16 : i32
      %mul3A_217 = arith.muli %scan3A_208, %mul3A_216 : i32
      %get3A_218 = arith.index_cast %mul3A_217 : i32 to index
      %get3A_219 = tpu.vector_load %arg8[%get3A_218] {strides = array<i32>} : memref<4096xf32, #tpu.memory_space<vmem>>, vector<16xf32>,
      %sub3A_220 = arith.subf %get3A_219, %gather3A_215 : vector<16xf32>
      %mul3A_221 = arith.mulf %sub3A_220, %sub3A_220 : vector<16xf32>
      %add3A_222 = arith.addf %add3A_206, %mul3A_221 : vector<16xf32>
      %scan3A_223 = arith.constant 3 : i32
      %scan3A_224 = arith.addi %scan3A_178, %scan3A_223 : i32
      %mul3A_225 = arith.constant 16 : i32
      %mul3A_226 = arith.muli %scan3A_224, %mul3A_225 : i32
      %add3A_227 = arith.constant 8192 : i32
      %add3A_228 = arith.addi %add3A_227, %mul3A_226 : i32
      %get3A_229 = arith.index_cast %add3A_228 : i32 to index
      %get3A_230 = tpu.vector_load %arg7[%get3A_229] {strides = array<i32>} : memref<16384xi32, #tpu.memory_space<vmem>>, vector<16xi32>,
      %gather3A_231 = tpu.vector_load_idx %arg6[%get3A_230] : memref<100000xf32, #tpu.memory_space<vmem>>[vector<16xi32>], vector<16xf32>,
      %mul3A_232 = arith.constant 16 : i32
      %mul3A_233 = arith.muli %scan3A_224, %mul3A_232 : i32
      %get3A_234 = arith.index_cast %mul3A_233 : i32 to index
      %get3A_235 = tpu.vector_load %arg8[%get3A_234] {strides = array<i32>} : memref<4096xf32, #tpu.memory_space<vmem>>, vector<16xf32>,
      %sub3A_236 = arith.subf %get3A_235, %gather3A_231 : vector<16xf32>
      %mul3A_237 = arith.mulf %sub3A_236, %sub3A_236 : vector<16xf32>
      %add3A_238 = arith.addf %add3A_222, %mul3A_237 : vector<16xf32>
      scf.yield %add3A_238 : vector<16xf32>
    }
    %scan3A_74 = arith.constant 256 : i32
    %add3A_75 = arith.constant 1 : i32
    %add3A_76 = arith.addi %add3A_16, %add3A_75 : i32
    %dma_start3A_77 = arith.constant 0 : i32
    %dma_start3A_78 = tpu.memref_slice %arg2[%add3A_76, %dma_start3A_77] : memref<64x16384xf32, #tpu.memory_space<hbm>> -> memref<1x4096xf32, #tpu.memory_space<hbm>>
    %dma_start3A_79 = tpu.memref_squeeze %dma_start3A_78 : memref<1x4096xf32, #tpu.memory_space<hbm>> -> memref<4096xf32, #tpu.memory_space<hbm>>
    %dma_start3A_80 = arith.constant 0 : i32
    %dma_start3A_81 = tpu.memref_slice %arg2[%add3A_76, %dma_start3A_80] : memref<64x16384xf32, #tpu.memory_space<hbm>> -> memref<1x4096xf32, #tpu.memory_space<hbm>>
    %dma_start3A_82 = tpu.memref_squeeze %dma_start3A_81 : memref<1x4096xf32, #tpu.memory_space<hbm>> -> memref<4096xf32, #tpu.memory_space<hbm>>
    tpu.enqueue_dma source(%dma_start3A_82 : memref<4096xf32, #tpu.memory_space<hbm>>) target(%arg8 : memref<4096xf32, #tpu.memory_space<vmem>>) target_semaphore(%arg13 : memref<!tpu.dma_semaphore, #tpu.memory_space<semaphore_mem>>)
    %dma_wait3A_83 = arith.constant 12288 : i32
    %dma_wait3A_84 = tpu.memref_slice %arg2[%add3A_16, %dma_wait3A_83] : memref<64x16384xf32, #tpu.memory_space<hbm>> -> memref<1x4096xf32, #tpu.memory_space<hbm>>
    %dma_wait3A_85 = tpu.memref_squeeze %dma_wait3A_84 : memref<1x4096xf32, #tpu.memory_space<hbm>> -> memref<4096xf32, #tpu.memory_space<hbm>>
    %dma_wait3A_86 = arith.constant 12288 : i32
    %dma_wait3A_87 = tpu.memref_slice %arg2[%add3A_16, %dma_wait3A_86] : memref<64x16384xf32, #tpu.memory_space<hbm>> -> memref<1x4096xf32, #tpu.memory_space<hbm>>
    %dma_wait3A_88 = tpu.memref_squeeze %dma_wait3A_87 : memref<1x4096xf32, #tpu.memory_space<hbm>> -> memref<4096xf32, #tpu.memory_space<hbm>>
    tpu.wait_dma2 semaphore(%arg13 : memref<!tpu.dma_semaphore, #tpu.memory_space<semaphore_mem>>) src(%dma_wait3A_88 : memref<4096xf32, #tpu.memory_space<hbm>>) dst(%arg9 : memref<4096xf32, #tpu.memory_space<vmem>>)
    %scan3A_89 = arith.constant 0 : i32
    %scan3A_90 = arith.constant 256 : i32
    %scan3A_91 = arith.addi %scan3A_89, %scan3A_90 : i32
    %scan3A_92 = arith.constant 4 : i32
    %scan3A_93 = scf.for %scan3A_178 = %scan3A_89 to %scan3A_91 step %scan3A_92 iter_args(%scan3A_179 = %scan3A_73) -> (vector<16xf32>)  : i32 {
      %mul3A_180 = arith.constant 16 : i32
      %mul3A_181 = arith.muli %scan3A_178, %mul3A_180 : i32
      %add3A_182 = arith.constant 12288 : i32
      %add3A_183 = arith.addi %add3A_182, %mul3A_181 : i32
      %get3A = arith.index_cast %add3A_183 : i32 to index
      %get3A_184 = tpu.vector_load %arg7[%get3A] {strides = array<i32>} : memref<16384xi32, #tpu.memory_space<vmem>>, vector<16xi32>,
      %gather3A = tpu.vector_load_idx %arg6[%get3A_184] : memref<100000xf32, #tpu.memory_space<vmem>>[vector<16xi32>], vector<16xf32>,
      %mul3A_185 = arith.constant 16 : i32
      %mul3A_186 = arith.muli %scan3A_178, %mul3A_185 : i32
      %get3A_187 = arith.index_cast %mul3A_186 : i32 to index
      %get3A_188 = tpu.vector_load %arg9[%get3A_187] {strides = array<i32>} : memref<4096xf32, #tpu.memory_space<vmem>>, vector<16xf32>,
      %sub3A = arith.subf %get3A_188, %gather3A : vector<16xf32>
      %mul3A_189 = arith.mulf %sub3A, %sub3A : vector<16xf32>
      %add3A_190 = arith.addf %scan3A_179, %mul3A_189 : vector<16xf32>
      %scan3A_191 = arith.constant 1 : i32
      %scan3A_192 = arith.addi %scan3A_178, %scan3A_191 : i32
      %mul3A_193 = arith.constant 16 : i32
      %mul3A_194 = arith.muli %scan3A_192, %mul3A_193 : i32
      %add3A_195 = arith.constant 12288 : i32
      %add3A_196 = arith.addi %add3A_195, %mul3A_194 : i32
      %get3A_197 = arith.index_cast %add3A_196 : i32 to index
      %get3A_198 = tpu.vector_load %arg7[%get3A_197] {strides = array<i32>} : memref<16384xi32, #tpu.memory_space<vmem>>, vector<16xi32>,
      %gather3A_199 = tpu.vector_load_idx %arg6[%get3A_198] : memref<100000xf32, #tpu.memory_space<vmem>>[vector<16xi32>], vector<16xf32>,
      %mul3A_200 = arith.constant 16 : i32
      %mul3A_201 = arith.muli %scan3A_192, %mul3A_200 : i32
      %get3A_202 = arith.index_cast %mul3A_201 : i32 to index
      %get3A_203 = tpu.vector_load %arg9[%get3A_202] {strides = array<i32>} : memref<4096xf32, #tpu.memory_space<vmem>>, vector<16xf32>,
      %sub3A_204 = arith.subf %get3A_203, %gather3A_199 : vector<16xf32>
      %mul3A_205 = arith.mulf %sub3A_204, %sub3A_204 : vector<16xf32>
      %add3A_206 = arith.addf %add3A_190, %mul3A_205 : vector<16xf32>
      %scan3A_207 = arith.constant 2 : i32
      %scan3A_208 = arith.addi %scan3A_178, %scan3A_207 : i32
      %mul3A_209 = arith.constant 16 : i32
      %mul3A_210 = arith.muli %scan3A_208, %mul3A_209 : i32
      %add3A_211 = arith.constant 12288 : i32
      %add3A_212 = arith.addi %add3A_211, %mul3A_210 : i32
      %get3A_213 = arith.index_cast %add3A_212 : i32 to index
      %get3A_214 = tpu.vector_load %arg7[%get3A_213] {strides = array<i32>} : memref<16384xi32, #tpu.memory_space<vmem>>, vector<16xi32>,
      %gather3A_215 = tpu.vector_load_idx %arg6[%get3A_214] : memref<100000xf32, #tpu.memory_space<vmem>>[vector<16xi32>], vector<16xf32>,
      %mul3A_216 = arith.constant 16 : i32
      %mul3A_217 = arith.muli %scan3A_208, %mul3A_216 : i32
      %get3A_218 = arith.index_cast %mul3A_217 : i32 to index
      %get3A_219 = tpu.vector_load %arg9[%get3A_218] {strides = array<i32>} : memref<4096xf32, #tpu.memory_space<vmem>>, vector<16xf32>,
      %sub3A_220 = arith.subf %get3A_219, %gather3A_215 : vector<16xf32>
      %mul3A_221 = arith.mulf %sub3A_220, %sub3A_220 : vector<16xf32>
      %add3A_222 = arith.addf %add3A_206, %mul3A_221 : vector<16xf32>
      %scan3A_223 = arith.constant 3 : i32
      %scan3A_224 = arith.addi %scan3A_178, %scan3A_223 : i32
      %mul3A_225 = arith.constant 16 : i32
      %mul3A_226 = arith.muli %scan3A_224, %mul3A_225 : i32
      %add3A_227 = arith.constant 12288 : i32
      %add3A_228 = arith.addi %add3A_227, %mul3A_226 : i32
      %get3A_229 = arith.index_cast %add3A_228 : i32 to index
      %get3A_230 = tpu.vector_load %arg7[%get3A_229] {strides = array<i32>} : memref<16384xi32, #tpu.memory_space<vmem>>, vector<16xi32>,
      %gather3A_231 = tpu.vector_load_idx %arg6[%get3A_230] : memref<100000xf32, #tpu.memory_space<vmem>>[vector<16xi32>], vector<16xf32>,
      %mul3A_232 = arith.constant 16 : i32
      %mul3A_233 = arith.muli %scan3A_224, %mul3A_232 : i32
      %get3A_234 = arith.index_cast %mul3A_233 : i32 to index
      %get3A_235 = tpu.vector_load %arg9[%get3A_234] {strides = array<i32>} : memref<4096xf32, #tpu.memory_space<vmem>>, vector<16xf32>,
      %sub3A_236 = arith.subf %get3A_235, %gather3A_231 : vector<16xf32>
      %mul3A_237 = arith.mulf %sub3A_236, %sub3A_236 : vector<16xf32>
      %add3A_238 = arith.addf %add3A_222, %mul3A_237 : vector<16xf32>
      scf.yield %add3A_238 : vector<16xf32>
    }
    %scan3A_94 = arith.constant 256 : i32
    %add3A_95 = arith.constant 1 : i32
    %add3A_96 = arith.addi %add3A_16, %add3A_95 : i32
    %dma_start3A_97 = arith.constant 0 : i32
    %dma_start3A_98 = tpu.memref_slice %arg4[%add3A_96, %dma_start3A_97] : memref<64x100000xf32, #tpu.memory_space<hbm>> -> memref<1x100000xf32, #tpu.memory_space<hbm>>
    %dma_start3A_99 = tpu.memref_squeeze %dma_start3A_98 : memref<1x100000xf32, #tpu.memory_space<hbm>> -> memref<100000xf32, #tpu.memory_space<hbm>>
    %dma_start3A_100 = arith.constant 0 : i32
    %dma_start3A_101 = tpu.memref_slice %arg4[%add3A_96, %dma_start3A_100] : memref<64x100000xf32, #tpu.memory_space<hbm>> -> memref<1x100000xf32, #tpu.memory_space<hbm>>
    %dma_start3A_102 = tpu.memref_squeeze %dma_start3A_101 : memref<1x100000xf32, #tpu.memory_space<hbm>> -> memref<100000xf32, #tpu.memory_space<hbm>>
    tpu.enqueue_dma source(%dma_start3A_102 : memref<100000xf32, #tpu.memory_space<hbm>>) target(%arg6 : memref<100000xf32, #tpu.memory_space<vmem>>) target_semaphore(%arg11 : memref<!tpu.dma_semaphore, #tpu.memory_space<semaphore_mem>>)
    %add3A_103 = arith.constant 1 : i32
    %add3A_104 = arith.addi %mul3A_2, %add3A_103 : i32
    %dma_wait3A_105 = arith.constant 0 : i32
    %dma_wait3A_106 = tpu.memref_slice %arg4[%add3A_96, %dma_wait3A_105] : memref<64x100000xf32, #tpu.memory_space<hbm>> -> memref<1x100000xf32, #tpu.memory_space<hbm>>
    %dma_wait3A_107 = tpu.memref_squeeze %dma_wait3A_106 : memref<1x100000xf32, #tpu.memory_space<hbm>> -> memref<100000xf32, #tpu.memory_space<hbm>>
    %dma_wait3A_108 = arith.constant 0 : i32
    %dma_wait3A_109 = tpu.memref_slice %arg4[%add3A_96, %dma_wait3A_108] : memref<64x100000xf32, #tpu.memory_space<hbm>> -> memref<1x100000xf32, #tpu.memory_space<hbm>>
    %dma_wait3A_110 = tpu.memref_squeeze %dma_wait3A_109 : memref<1x100000xf32, #tpu.memory_space<hbm>> -> memref<100000xf32, #tpu.memory_space<hbm>>
    tpu.wait_dma2 semaphore(%arg11 : memref<!tpu.dma_semaphore, #tpu.memory_space<semaphore_mem>>) src(%dma_wait3A_110 : memref<100000xf32, #tpu.memory_space<hbm>>) dst(%arg6 : memref<100000xf32, #tpu.memory_space<vmem>>)
    %dma_start3A_111 = arith.constant 4096 : i32
    %dma_start3A_112 = tpu.memref_slice %arg2[%add3A_104, %dma_start3A_111] : memref<64x16384xf32, #tpu.memory_space<hbm>> -> memref<1x4096xf32, #tpu.memory_space<hbm>>
    %dma_start3A_113 = tpu.memref_squeeze %dma_start3A_112 : memref<1x4096xf32, #tpu.memory_space<hbm>> -> memref<4096xf32, #tpu.memory_space<hbm>>
    %dma_start3A_114 = arith.constant 4096 : i32
    %dma_start3A_115 = tpu.memref_slice %arg2[%add3A_104, %dma_start3A_114] : memref<64x16384xf32, #tpu.memory_space<hbm>> -> memref<1x4096xf32, #tpu.memory_space<hbm>>
    %dma_start3A_116 = tpu.memref_squeeze %dma_start3A_115 : memref<1x4096xf32, #tpu.memory_space<hbm>> -> memref<4096xf32, #tpu.memory_space<hbm>>
    tpu.enqueue_dma source(%dma_start3A_116 : memref<4096xf32, #tpu.memory_space<hbm>>) target(%arg9 : memref<4096xf32, #tpu.memory_space<vmem>>) target_semaphore(%arg13 : memref<!tpu.dma_semaphore, #tpu.memory_space<semaphore_mem>>)
    %dma_wait3A_117 = arith.constant 0 : i32
    %dma_wait3A_118 = tpu.memref_slice %arg2[%add3A_76, %dma_wait3A_117] : memref<64x16384xf32, #tpu.memory_space<hbm>> -> memref<1x4096xf32, #tpu.memory_space<hbm>>
    %dma_wait3A_119 = tpu.memref_squeeze %dma_wait3A_118 : memref<1x4096xf32, #tpu.memory_space<hbm>> -> memref<4096xf32, #tpu.memory_space<hbm>>
    %dma_wait3A_120 = arith.constant 0 : i32
    %dma_wait3A_121 = tpu.memref_slice %arg2[%add3A_76, %dma_wait3A_120] : memref<64x16384xf32, #tpu.memory_space<hbm>> -> memref<1x4096xf32, #tpu.memory_space<hbm>>
    %dma_wait3A_122 = tpu.memref_squeeze %dma_wait3A_121 : memref<1x4096xf32, #tpu.memory_space<hbm>> -> memref<4096xf32, #tpu.memory_space<hbm>>
    tpu.wait_dma2 semaphore(%arg13 : memref<!tpu.dma_semaphore, #tpu.memory_space<semaphore_mem>>) src(%dma_wait3A_122 : memref<4096xf32, #tpu.memory_space<hbm>>) dst(%arg8 : memref<4096xf32, #tpu.memory_space<vmem>>)
    %scan3A_123 = arith.constant 0 : i32
    %scan3A_124 = arith.constant 256 : i32
    %scan3A_125 = arith.addi %scan3A_123, %scan3A_124 : i32
    %scan3A_126 = arith.constant 4 : i32
    %scan3A_127 = scf.for %scan3A_178 = %scan3A_123 to %scan3A_125 step %scan3A_126 iter_args(%scan3A_179 = %scan3A_93) -> (vector<16xf32>)  : i32 {
      %mul3A_180 = arith.constant 16 : i32
      %mul3A_181 = arith.muli %scan3A_178, %mul3A_180 : i32
      %add3A_182 = arith.constant 0 : i32
      %add3A_183 = arith.addi %add3A_182, %mul3A_181 : i32
      %get3A = arith.index_cast %add3A_183 : i32 to index
      %get3A_184 = tpu.vector_load %arg7[%get3A] {strides = array<i32>} : memref<16384xi32, #tpu.memory_space<vmem>>, vector<16xi32>,
      %gather3A = tpu.vector_load_idx %arg6[%get3A_184] : memref<100000xf32, #tpu.memory_space<vmem>>[vector<16xi32>], vector<16xf32>,
      %mul3A_185 = arith.constant 16 : i32
      %mul3A_186 = arith.muli %scan3A_178, %mul3A_185 : i32
      %get3A_187 = arith.index_cast %mul3A_186 : i32 to index
      %get3A_188 = tpu.vector_load %arg8[%get3A_187] {strides = array<i32>} : memref<4096xf32, #tpu.memory_space<vmem>>, vector<16xf32>,
      %sub3A = arith.subf %get3A_188, %gather3A : vector<16xf32>
      %mul3A_189 = arith.mulf %sub3A, %sub3A : vector<16xf32>
      %add3A_190 = arith.addf %scan3A_179, %mul3A_189 : vector<16xf32>
      %scan3A_191 = arith.constant 1 : i32
      %scan3A_192 = arith.addi %scan3A_178, %scan3A_191 : i32
      %mul3A_193 = arith.constant 16 : i32
      %mul3A_194 = arith.muli %scan3A_192, %mul3A_193 : i32
      %add3A_195 = arith.constant 0 : i32
      %add3A_196 = arith.addi %add3A_195, %mul3A_194 : i32
      %get3A_197 = arith.index_cast %add3A_196 : i32 to index
      %get3A_198 = tpu.vector_load %arg7[%get3A_197] {strides = array<i32>} : memref<16384xi32, #tpu.memory_space<vmem>>, vector<16xi32>,
      %gather3A_199 = tpu.vector_load_idx %arg6[%get3A_198] : memref<100000xf32, #tpu.memory_space<vmem>>[vector<16xi32>], vector<16xf32>,
      %mul3A_200 = arith.constant 16 : i32
      %mul3A_201 = arith.muli %scan3A_192, %mul3A_200 : i32
      %get3A_202 = arith.index_cast %mul3A_201 : i32 to index
      %get3A_203 = tpu.vector_load %arg8[%get3A_202] {strides = array<i32>} : memref<4096xf32, #tpu.memory_space<vmem>>, vector<16xf32>,
      %sub3A_204 = arith.subf %get3A_203, %gather3A_199 : vector<16xf32>
      %mul3A_205 = arith.mulf %sub3A_204, %sub3A_204 : vector<16xf32>
      %add3A_206 = arith.addf %add3A_190, %mul3A_205 : vector<16xf32>
      %scan3A_207 = arith.constant 2 : i32
      %scan3A_208 = arith.addi %scan3A_178, %scan3A_207 : i32
      %mul3A_209 = arith.constant 16 : i32
      %mul3A_210 = arith.muli %scan3A_208, %mul3A_209 : i32
      %add3A_211 = arith.constant 0 : i32
      %add3A_212 = arith.addi %add3A_211, %mul3A_210 : i32
      %get3A_213 = arith.index_cast %add3A_212 : i32 to index
      %get3A_214 = tpu.vector_load %arg7[%get3A_213] {strides = array<i32>} : memref<16384xi32, #tpu.memory_space<vmem>>, vector<16xi32>,
      %gather3A_215 = tpu.vector_load_idx %arg6[%get3A_214] : memref<100000xf32, #tpu.memory_space<vmem>>[vector<16xi32>], vector<16xf32>,
      %mul3A_216 = arith.constant 16 : i32
      %mul3A_217 = arith.muli %scan3A_208, %mul3A_216 : i32
      %get3A_218 = arith.index_cast %mul3A_217 : i32 to index
      %get3A_219 = tpu.vector_load %arg8[%get3A_218] {strides = array<i32>} : memref<4096xf32, #tpu.memory_space<vmem>>, vector<16xf32>,
      %sub3A_220 = arith.subf %get3A_219, %gather3A_215 : vector<16xf32>
      %mul3A_221 = arith.mulf %sub3A_220, %sub3A_220 : vector<16xf32>
      %add3A_222 = arith.addf %add3A_206, %mul3A_221 : vector<16xf32>
      %scan3A_223 = arith.constant 3 : i32
      %scan3A_224 = arith.addi %scan3A_178, %scan3A_223 : i32
      %mul3A_225 = arith.constant 16 : i32
      %mul3A_226 = arith.muli %scan3A_224, %mul3A_225 : i32
      %add3A_227 = arith.constant 0 : i32
      %add3A_228 = arith.addi %add3A_227, %mul3A_226 : i32
      %get3A_229 = arith.index_cast %add3A_228 : i32 to index
      %get3A_230 = tpu.vector_load %arg7[%get3A_229] {strides = array<i32>} : memref<16384xi32, #tpu.memory_space<vmem>>, vector<16xi32>,
      %gather3A_231 = tpu.vector_load_idx %arg6[%get3A_230] : memref<100000xf32, #tpu.memory_space<vmem>>[vector<16xi32>], vector<16xf32>,
      %mul3A_232 = arith.constant 16 : i32
      %mul3A_233 = arith.muli %scan3A_224, %mul3A_232 : i32
      %get3A_234 = arith.index_cast %mul3A_233 : i32 to index
      %get3A_235 = tpu.vector_load %arg8[%get3A_234] {strides = array<i32>} : memref<4096xf32, #tpu.memory_space<vmem>>, vector<16xf32>,
      %sub3A_236 = arith.subf %get3A_235, %gather3A_231 : vector<16xf32>
      %mul3A_237 = arith.mulf %sub3A_236, %sub3A_236 : vector<16xf32>
      %add3A_238 = arith.addf %add3A_222, %mul3A_237 : vector<16xf32>
      scf.yield %add3A_238 : vector<16xf32>
    }
    %scan3A_128 = arith.constant 256 : i32
    %dma_start3A_129 = arith.constant 8192 : i32
    %dma_start3A_130 = tpu.memref_slice %arg2[%add3A_104, %dma_start3A_129] : memref<64x16384xf32, #tpu.memory_space<hbm>> -> memref<1x4096xf32, #tpu.memory_space<hbm>>
    %dma_start3A_131 = tpu.memref_squeeze %dma_start3A_130 : memref<1x4096xf32, #tpu.memory_space<hbm>> -> memref<4096xf32, #tpu.memory_space<hbm>>
    %dma_start3A_132 = arith.constant 8192 : i32
    %dma_start3A_133 = tpu.memref_slice %arg2[%add3A_104, %dma_start3A_132] : memref<64x16384xf32, #tpu.memory_space<hbm>> -> memref<1x4096xf32, #tpu.memory_space<hbm>>
    %dma_start3A_134 = tpu.memref_squeeze %dma_start3A_133 : memref<1x4096xf32, #tpu.memory_space<hbm>> -> memref<4096xf32, #tpu.memory_space<hbm>>
    tpu.enqueue_dma source(%dma_start3A_134 : memref<4096xf32, #tpu.memory_space<hbm>>) target(%arg8 : memref<4096xf32, #tpu.memory_space<vmem>>) target_semaphore(%arg13 : memref<!tpu.dma_semaphore, #tpu.memory_space<semaphore_mem>>)
    %dma_wait3A_135 = arith.constant 4096 : i32
    %dma_wait3A_136 = tpu.memref_slice %arg2[%add3A_104, %dma_wait3A_135] : memref<64x16384xf32, #tpu.memory_space<hbm>> -> memref<1x4096xf32, #tpu.memory_space<hbm>>
    %dma_wait3A_137 = tpu.memref_squeeze %dma_wait3A_136 : memref<1x4096xf32, #tpu.memory_space<hbm>> -> memref<4096xf32, #tpu.memory_space<hbm>>
    %dma_wait3A_138 = arith.constant 4096 : i32
    %dma_wait3A_139 = tpu.memref_slice %arg2[%add3A_104, %dma_wait3A_138] : memref<64x16384xf32, #tpu.memory_space<hbm>> -> memref<1x4096xf32, #tpu.memory_space<hbm>>
    %dma_wait3A_140 = tpu.memref_squeeze %dma_wait3A_139 : memref<1x4096xf32, #tpu.memory_space<hbm>> -> memref<4096xf32, #tpu.memory_space<hbm>>
    tpu.wait_dma2 semaphore(%arg13 : memref<!tpu.dma_semaphore, #tpu.memory_space<semaphore_mem>>) src(%dma_wait3A_140 : memref<4096xf32, #tpu.memory_space<hbm>>) dst(%arg9 : memref<4096xf32, #tpu.memory_space<vmem>>)
    %scan3A_141 = arith.constant 0 : i32
    %scan3A_142 = arith.constant 256 : i32
    %scan3A_143 = arith.addi %scan3A_141, %scan3A_142 : i32
    %scan3A_144 = arith.constant 4 : i32
    %scan3A_145 = scf.for %scan3A_178 = %scan3A_141 to %scan3A_143 step %scan3A_144 iter_args(%scan3A_179 = %scan3A_127) -> (vector<16xf32>)  : i32 {
      %mul3A_180 = arith.constant 16 : i32
      %mul3A_181 = arith.muli %scan3A_178, %mul3A_180 : i32
      %add3A_182 = arith.constant 4096 : i32
      %add3A_183 = arith.addi %add3A_182, %mul3A_181 : i32
      %get3A = arith.index_cast %add3A_183 : i32 to index
      %get3A_184 = tpu.vector_load %arg7[%get3A] {strides = array<i32>} : memref<16384xi32, #tpu.memory_space<vmem>>, vector<16xi32>,
      %gather3A = tpu.vector_load_idx %arg6[%get3A_184] : memref<100000xf32, #tpu.memory_space<vmem>>[vector<16xi32>], vector<16xf32>,
      %mul3A_185 = arith.constant 16 : i32
      %mul3A_186 = arith.muli %scan3A_178, %mul3A_185 : i32
      %get3A_187 = arith.index_cast %mul3A_186 : i32 to index
      %get3A_188 = tpu.vector_load %arg9[%get3A_187] {strides = array<i32>} : memref<4096xf32, #tpu.memory_space<vmem>>, vector<16xf32>,
      %sub3A = arith.subf %get3A_188, %gather3A : vector<16xf32>
      %mul3A_189 = arith.mulf %sub3A, %sub3A : vector<16xf32>
      %add3A_190 = arith.addf %scan3A_179, %mul3A_189 : vector<16xf32>
      %scan3A_191 = arith.constant 1 : i32
      %scan3A_192 = arith.addi %scan3A_178, %scan3A_191 : i32
      %mul3A_193 = arith.constant 16 : i32
      %mul3A_194 = arith.muli %scan3A_192, %mul3A_193 : i32
      %add3A_195 = arith.constant 4096 : i32
      %add3A_196 = arith.addi %add3A_195, %mul3A_194 : i32
      %get3A_197 = arith.index_cast %add3A_196 : i32 to index
      %get3A_198 = tpu.vector_load %arg7[%get3A_197] {strides = array<i32>} : memref<16384xi32, #tpu.memory_space<vmem>>, vector<16xi32>,
      %gather3A_199 = tpu.vector_load_idx %arg6[%get3A_198] : memref<100000xf32, #tpu.memory_space<vmem>>[vector<16xi32>], vector<16xf32>,
      %mul3A_200 = arith.constant 16 : i32
      %mul3A_201 = arith.muli %scan3A_192, %mul3A_200 : i32
      %get3A_202 = arith.index_cast %mul3A_201 : i32 to index
      %get3A_203 = tpu.vector_load %arg9[%get3A_202] {strides = array<i32>} : memref<4096xf32, #tpu.memory_space<vmem>>, vector<16xf32>,
      %sub3A_204 = arith.subf %get3A_203, %gather3A_199 : vector<16xf32>
      %mul3A_205 = arith.mulf %sub3A_204, %sub3A_204 : vector<16xf32>
      %add3A_206 = arith.addf %add3A_190, %mul3A_205 : vector<16xf32>
      %scan3A_207 = arith.constant 2 : i32
      %scan3A_208 = arith.addi %scan3A_178, %scan3A_207 : i32
      %mul3A_209 = arith.constant 16 : i32
      %mul3A_210 = arith.muli %scan3A_208, %mul3A_209 : i32
      %add3A_211 = arith.constant 4096 : i32
      %add3A_212 = arith.addi %add3A_211, %mul3A_210 : i32
      %get3A_213 = arith.index_cast %add3A_212 : i32 to index
      %get3A_214 = tpu.vector_load %arg7[%get3A_213] {strides = array<i32>} : memref<16384xi32, #tpu.memory_space<vmem>>, vector<16xi32>,
      %gather3A_215 = tpu.vector_load_idx %arg6[%get3A_214] : memref<100000xf32, #tpu.memory_space<vmem>>[vector<16xi32>], vector<16xf32>,
      %mul3A_216 = arith.constant 16 : i32
      %mul3A_217 = arith.muli %scan3A_208, %mul3A_216 : i32
      %get3A_218 = arith.index_cast %mul3A_217 : i32 to index
      %get3A_219 = tpu.vector_load %arg9[%get3A_218] {strides = array<i32>} : memref<4096xf32, #tpu.memory_space<vmem>>, vector<16xf32>,
      %sub3A_220 = arith.subf %get3A_219, %gather3A_215 : vector<16xf32>
      %mul3A_221 = arith.mulf %sub3A_220, %sub3A_220 : vector<16xf32>
      %add3A_222 = arith.addf %add3A_206, %mul3A_221 : vector<16xf32>
      %scan3A_223 = arith.constant 3 : i32
      %scan3A_224 = arith.addi %scan3A_178, %scan3A_223 : i32
      %mul3A_225 = arith.constant 16 : i32
      %mul3A_226 = arith.muli %scan3A_224, %mul3A_225 : i32
      %add3A_227 = arith.constant 4096 : i32
      %add3A_228 = arith.addi %add3A_227, %mul3A_226 : i32
      %get3A_229 = arith.index_cast %add3A_228 : i32 to index
      %get3A_230 = tpu.vector_load %arg7[%get3A_229] {strides = array<i32>} : memref<16384xi32, #tpu.memory_space<vmem>>, vector<16xi32>,
      %gather3A_231 = tpu.vector_load_idx %arg6[%get3A_230] : memref<100000xf32, #tpu.memory_space<vmem>>[vector<16xi32>], vector<16xf32>,
      %mul3A_232 = arith.constant 16 : i32
      %mul3A_233 = arith.muli %scan3A_224, %mul3A_232 : i32
      %get3A_234 = arith.index_cast %mul3A_233 : i32 to index
      %get3A_235 = tpu.vector_load %arg9[%get3A_234] {strides = array<i32>} : memref<4096xf32, #tpu.memory_space<vmem>>, vector<16xf32>,
      %sub3A_236 = arith.subf %get3A_235, %gather3A_231 : vector<16xf32>
      %mul3A_237 = arith.mulf %sub3A_236, %sub3A_236 : vector<16xf32>
      %add3A_238 = arith.addf %add3A_222, %mul3A_237 : vector<16xf32>
      scf.yield %add3A_238 : vector<16xf32>
    }
    %scan3A_146 = arith.constant 256 : i32
    %dma_start3A_147 = arith.constant 12288 : i32
    %dma_start3A_148 = tpu.memref_slice %arg2[%add3A_104, %dma_start3A_147] : memref<64x16384xf32, #tpu.memory_space<hbm>> -> memref<1x4096xf32, #tpu.memory_space<hbm>>
    %dma_start3A_149 = tpu.memref_squeeze %dma_start3A_148 : memref<1x4096xf32, #tpu.memory_space<hbm>> -> memref<4096xf32, #tpu.memory_space<hbm>>
    %dma_start3A_150 = arith.constant 12288 : i32
    %dma_start3A_151 = tpu.memref_slice %arg2[%add3A_104, %dma_start3A_150] : memref<64x16384xf32, #tpu.memory_space<hbm>> -> memref<1x4096xf32, #tpu.memory_space<hbm>>
    %dma_start3A_152 = tpu.memref_squeeze %dma_start3A_151 : memref<1x4096xf32, #tpu.memory_space<hbm>> -> memref<4096xf32, #tpu.memory_space<hbm>>
    tpu.enqueue_dma source(%dma_start3A_152 : memref<4096xf32, #tpu.memory_space<hbm>>) target(%arg9 : memref<4096xf32, #tpu.memory_space<vmem>>) target_semaphore(%arg13 : memref<!tpu.dma_semaphore, #tpu.memory_space<semaphore_mem>>)
    %dma_wait3A_153 = arith.constant 8192 : i32
    %dma_wait3A_154 = tpu.memref_slice %arg2[%add3A_104, %dma_wait3A_153] : memref<64x16384xf32, #tpu.memory_space<hbm>> -> memref<1x4096xf32, #tpu.memory_space<hbm>>
    %dma_wait3A_155 = tpu.memref_squeeze %dma_wait3A_154 : memref<1x4096xf32, #tpu.memory_space<hbm>> -> memref<4096xf32, #tpu.memory_space<hbm>>
    %dma_wait3A_156 = arith.constant 8192 : i32
    %dma_wait3A_157 = tpu.memref_slice %arg2[%add3A_104, %dma_wait3A_156] : memref<64x16384xf32, #tpu.memory_space<hbm>> -> memref<1x4096xf32, #tpu.memory_space<hbm>>
    %dma_wait3A_158 = tpu.memref_squeeze %dma_wait3A_157 : memref<1x4096xf32, #tpu.memory_space<hbm>> -> memref<4096xf32, #tpu.memory_space<hbm>>
    tpu.wait_dma2 semaphore(%arg13 : memref<!tpu.dma_semaphore, #tpu.memory_space<semaphore_mem>>) src(%dma_wait3A_158 : memref<4096xf32, #tpu.memory_space<hbm>>) dst(%arg8 : memref<4096xf32, #tpu.memory_space<vmem>>)
    %scan3A_159 = arith.constant 0 : i32
    %scan3A_160 = arith.constant 256 : i32
    %scan3A_161 = arith.addi %scan3A_159, %scan3A_160 : i32
    %scan3A_162 = arith.constant 4 : i32
    %scan3A_163 = scf.for %scan3A_178 = %scan3A_159 to %scan3A_161 step %scan3A_162 iter_args(%scan3A_179 = %scan3A_145) -> (vector<16xf32>)  : i32 {
      %mul3A_180 = arith.constant 16 : i32
      %mul3A_181 = arith.muli %scan3A_178, %mul3A_180 : i32
      %add3A_182 = arith.constant 8192 : i32
      %add3A_183 = arith.addi %add3A_182, %mul3A_181 : i32
      %get3A = arith.index_cast %add3A_183 : i32 to index
      %get3A_184 = tpu.vector_load %arg7[%get3A] {strides = array<i32>} : memref<16384xi32, #tpu.memory_space<vmem>>, vector<16xi32>,
      %gather3A = tpu.vector_load_idx %arg6[%get3A_184] : memref<100000xf32, #tpu.memory_space<vmem>>[vector<16xi32>], vector<16xf32>,
      %mul3A_185 = arith.constant 16 : i32
      %mul3A_186 = arith.muli %scan3A_178, %mul3A_185 : i32
      %get3A_187 = arith.index_cast %mul3A_186 : i32 to index
      %get3A_188 = tpu.vector_load %arg8[%get3A_187] {strides = array<i32>} : memref<4096xf32, #tpu.memory_space<vmem>>, vector<16xf32>,
      %sub3A = arith.subf %get3A_188, %gather3A : vector<16xf32>
      %mul3A_189 = arith.mulf %sub3A, %sub3A : vector<16xf32>
      %add3A_190 = arith.addf %scan3A_179, %mul3A_189 : vector<16xf32>
      %scan3A_191 = arith.constant 1 : i32
      %scan3A_192 = arith.addi %scan3A_178, %scan3A_191 : i32
      %mul3A_193 = arith.constant 16 : i32
      %mul3A_194 = arith.muli %scan3A_192, %mul3A_193 : i32
      %add3A_195 = arith.constant 8192 : i32
      %add3A_196 = arith.addi %add3A_195, %mul3A_194 : i32
      %get3A_197 = arith.index_cast %add3A_196 : i32 to index
      %get3A_198 = tpu.vector_load %arg7[%get3A_197] {strides = array<i32>} : memref<16384xi32, #tpu.memory_space<vmem>>, vector<16xi32>,
      %gather3A_199 = tpu.vector_load_idx %arg6[%get3A_198] : memref<100000xf32, #tpu.memory_space<vmem>>[vector<16xi32>], vector<16xf32>,
      %mul3A_200 = arith.constant 16 : i32
      %mul3A_201 = arith.muli %scan3A_192, %mul3A_200 : i32
      %get3A_202 = arith.index_cast %mul3A_201 : i32 to index
      %get3A_203 = tpu.vector_load %arg8[%get3A_202] {strides = array<i32>} : memref<4096xf32, #tpu.memory_space<vmem>>, vector<16xf32>,
      %sub3A_204 = arith.subf %get3A_203, %gather3A_199 : vector<16xf32>
      %mul3A_205 = arith.mulf %sub3A_204, %sub3A_204 : vector<16xf32>
      %add3A_206 = arith.addf %add3A_190, %mul3A_205 : vector<16xf32>
      %scan3A_207 = arith.constant 2 : i32
      %scan3A_208 = arith.addi %scan3A_178, %scan3A_207 : i32
      %mul3A_209 = arith.constant 16 : i32
      %mul3A_210 = arith.muli %scan3A_208, %mul3A_209 : i32
      %add3A_211 = arith.constant 8192 : i32
      %add3A_212 = arith.addi %add3A_211, %mul3A_210 : i32
      %get3A_213 = arith.index_cast %add3A_212 : i32 to index
      %get3A_214 = tpu.vector_load %arg7[%get3A_213] {strides = array<i32>} : memref<16384xi32, #tpu.memory_space<vmem>>, vector<16xi32>,
      %gather3A_215 = tpu.vector_load_idx %arg6[%get3A_214] : memref<100000xf32, #tpu.memory_space<vmem>>[vector<16xi32>], vector<16xf32>,
      %mul3A_216 = arith.constant 16 : i32
      %mul3A_217 = arith.muli %scan3A_208, %mul3A_216 : i32
      %get3A_218 = arith.index_cast %mul3A_217 : i32 to index
      %get3A_219 = tpu.vector_load %arg8[%get3A_218] {strides = array<i32>} : memref<4096xf32, #tpu.memory_space<vmem>>, vector<16xf32>,
      %sub3A_220 = arith.subf %get3A_219, %gather3A_215 : vector<16xf32>
      %mul3A_221 = arith.mulf %sub3A_220, %sub3A_220 : vector<16xf32>
      %add3A_222 = arith.addf %add3A_206, %mul3A_221 : vector<16xf32>
      %scan3A_223 = arith.constant 3 : i32
      %scan3A_224 = arith.addi %scan3A_178, %scan3A_223 : i32
      %mul3A_225 = arith.constant 16 : i32
      %mul3A_226 = arith.muli %scan3A_224, %mul3A_225 : i32
      %add3A_227 = arith.constant 8192 : i32
      %add3A_228 = arith.addi %add3A_227, %mul3A_226 : i32
      %get3A_229 = arith.index_cast %add3A_228 : i32 to index
      %get3A_230 = tpu.vector_load %arg7[%get3A_229] {strides = array<i32>} : memref<16384xi32, #tpu.memory_space<vmem>>, vector<16xi32>,
      %gather3A_231 = tpu.vector_load_idx %arg6[%get3A_230] : memref<100000xf32, #tpu.memory_space<vmem>>[vector<16xi32>], vector<16xf32>,
      %mul3A_232 = arith.constant 16 : i32
      %mul3A_233 = arith.muli %scan3A_224, %mul3A_232 : i32
      %get3A_234 = arith.index_cast %mul3A_233 : i32 to index
      %get3A_235 = tpu.vector_load %arg8[%get3A_234] {strides = array<i32>} : memref<4096xf32, #tpu.memory_space<vmem>>, vector<16xf32>,
      %sub3A_236 = arith.subf %get3A_235, %gather3A_231 : vector<16xf32>
      %mul3A_237 = arith.mulf %sub3A_236, %sub3A_236 : vector<16xf32>
      %add3A_238 = arith.addf %add3A_222, %mul3A_237 : vector<16xf32>
      scf.yield %add3A_238 : vector<16xf32>
    }
    %scan3A_164 = arith.constant 256 : i32
    %dma_wait3A_165 = arith.constant 12288 : i32
    %dma_wait3A_166 = tpu.memref_slice %arg2[%add3A_104, %dma_wait3A_165] : memref<64x16384xf32, #tpu.memory_space<hbm>> -> memref<1x4096xf32, #tpu.memory_space<hbm>>
    %dma_wait3A_167 = tpu.memref_squeeze %dma_wait3A_166 : memref<1x4096xf32, #tpu.memory_space<hbm>> -> memref<4096xf32, #tpu.memory_space<hbm>>
    %dma_wait3A_168 = arith.constant 12288 : i32
    %dma_wait3A_169 = tpu.memref_slice %arg2[%add3A_104, %dma_wait3A_168] : memref<64x16384xf32, #tpu.memory_space<hbm>> -> memref<1x4096xf32, #tpu.memory_space<hbm>>
    %dma_wait3A_170 = tpu.memref_squeeze %dma_wait3A_169 : memref<1x4096xf32, #tpu.memory_space<hbm>> -> memref<4096xf32, #tpu.memory_space<hbm>>
    tpu.wait_dma2 semaphore(%arg13 : memref<!tpu.dma_semaphore, #tpu.memory_space<semaphore_mem>>) src(%dma_wait3A_170 : memref<4096xf32, #tpu.memory_space<hbm>>) dst(%arg9 : memref<4096xf32, #tpu.memory_space<vmem>>)
    %scan3A_171 = arith.constant 0 : i32
    %scan3A_172 = arith.constant 256 : i32
    %scan3A_173 = arith.addi %scan3A_171, %scan3A_172 : i32
    %scan3A_174 = arith.constant 4 : i32
    %scan3A_175 = scf.for %scan3A_178 = %scan3A_171 to %scan3A_173 step %scan3A_174 iter_args(%scan3A_179 = %scan3A_163) -> (vector<16xf32>)  : i32 {
      %mul3A_180 = arith.constant 16 : i32
      %mul3A_181 = arith.muli %scan3A_178, %mul3A_180 : i32
      %add3A_182 = arith.constant 12288 : i32
      %add3A_183 = arith.addi %add3A_182, %mul3A_181 : i32
      %get3A = arith.index_cast %add3A_183 : i32 to index
      %get3A_184 = tpu.vector_load %arg7[%get3A] {strides = array<i32>} : memref<16384xi32, #tpu.memory_space<vmem>>, vector<16xi32>,
      %gather3A = tpu.vector_load_idx %arg6[%get3A_184] : memref<100000xf32, #tpu.memory_space<vmem>>[vector<16xi32>], vector<16xf32>,
      %mul3A_185 = arith.constant 16 : i32
      %mul3A_186 = arith.muli %scan3A_178, %mul3A_185 : i32
      %get3A_187 = arith.index_cast %mul3A_186 : i32 to index
      %get3A_188 = tpu.vector_load %arg9[%get3A_187] {strides = array<i32>} : memref<4096xf32, #tpu.memory_space<vmem>>, vector<16xf32>,
      %sub3A = arith.subf %get3A_188, %gather3A : vector<16xf32>
      %mul3A_189 = arith.mulf %sub3A, %sub3A : vector<16xf32>
      %add3A_190 = arith.addf %scan3A_179, %mul3A_189 : vector<16xf32>
      %scan3A_191 = arith.constant 1 : i32
      %scan3A_192 = arith.addi %scan3A_178, %scan3A_191 : i32
      %mul3A_193 = arith.constant 16 : i32
      %mul3A_194 = arith.muli %scan3A_192, %mul3A_193 : i32
      %add3A_195 = arith.constant 12288 : i32
      %add3A_196 = arith.addi %add3A_195, %mul3A_194 : i32
      %get3A_197 = arith.index_cast %add3A_196 : i32 to index
      %get3A_198 = tpu.vector_load %arg7[%get3A_197] {strides = array<i32>} : memref<16384xi32, #tpu.memory_space<vmem>>, vector<16xi32>,
      %gather3A_199 = tpu.vector_load_idx %arg6[%get3A_198] : memref<100000xf32, #tpu.memory_space<vmem>>[vector<16xi32>], vector<16xf32>,
      %mul3A_200 = arith.constant 16 : i32
      %mul3A_201 = arith.muli %scan3A_192, %mul3A_200 : i32
      %get3A_202 = arith.index_cast %mul3A_201 : i32 to index
      %get3A_203 = tpu.vector_load %arg9[%get3A_202] {strides = array<i32>} : memref<4096xf32, #tpu.memory_space<vmem>>, vector<16xf32>,
      %sub3A_204 = arith.subf %get3A_203, %gather3A_199 : vector<16xf32>
      %mul3A_205 = arith.mulf %sub3A_204, %sub3A_204 : vector<16xf32>
      %add3A_206 = arith.addf %add3A_190, %mul3A_205 : vector<16xf32>
      %scan3A_207 = arith.constant 2 : i32
      %scan3A_208 = arith.addi %scan3A_178, %scan3A_207 : i32
      %mul3A_209 = arith.constant 16 : i32
      %mul3A_210 = arith.muli %scan3A_208, %mul3A_209 : i32
      %add3A_211 = arith.constant 12288 : i32
      %add3A_212 = arith.addi %add3A_211, %mul3A_210 : i32
      %get3A_213 = arith.index_cast %add3A_212 : i32 to index
      %get3A_214 = tpu.vector_load %arg7[%get3A_213] {strides = array<i32>} : memref<16384xi32, #tpu.memory_space<vmem>>, vector<16xi32>,
      %gather3A_215 = tpu.vector_load_idx %arg6[%get3A_214] : memref<100000xf32, #tpu.memory_space<vmem>>[vector<16xi32>], vector<16xf32>,
      %mul3A_216 = arith.constant 16 : i32
      %mul3A_217 = arith.muli %scan3A_208, %mul3A_216 : i32
      %get3A_218 = arith.index_cast %mul3A_217 : i32 to index
      %get3A_219 = tpu.vector_load %arg9[%get3A_218] {strides = array<i32>} : memref<4096xf32, #tpu.memory_space<vmem>>, vector<16xf32>,
      %sub3A_220 = arith.subf %get3A_219, %gather3A_215 : vector<16xf32>
      %mul3A_221 = arith.mulf %sub3A_220, %sub3A_220 : vector<16xf32>
      %add3A_222 = arith.addf %add3A_206, %mul3A_221 : vector<16xf32>
      %scan3A_223 = arith.constant 3 : i32
      %scan3A_224 = arith.addi %scan3A_178, %scan3A_223 : i32
      %mul3A_225 = arith.constant 16 : i32
      %mul3A_226 = arith.muli %scan3A_224, %mul3A_225 : i32
      %add3A_227 = arith.constant 12288 : i32
      %add3A_228 = arith.addi %add3A_227, %mul3A_226 : i32
      %get3A_229 = arith.index_cast %add3A_228 : i32 to index
      %get3A_230 = tpu.vector_load %arg7[%get3A_229] {strides = array<i32>} : memref<16384xi32, #tpu.memory_space<vmem>>, vector<16xi32>,
      %gather3A_231 = tpu.vector_load_idx %arg6[%get3A_230] : memref<100000xf32, #tpu.memory_space<vmem>>[vector<16xi32>], vector<16xf32>,
      %mul3A_232 = arith.constant 16 : i32
      %mul3A_233 = arith.muli %scan3A_224, %mul3A_232 : i32
      %get3A_234 = arith.index_cast %mul3A_233 : i32 to index
      %get3A_235 = tpu.vector_load %arg9[%get3A_234] {strides = array<i32>} : memref<4096xf32, #tpu.memory_space<vmem>>, vector<16xf32>,
      %sub3A_236 = arith.subf %get3A_235, %gather3A_231 : vector<16xf32>
      %mul3A_237 = arith.mulf %sub3A_236, %sub3A_236 : vector<16xf32>
      %add3A_238 = arith.addf %add3A_222, %mul3A_237 : vector<16xf32>
      scf.yield %add3A_238 : vector<16xf32>
    }
    %scan3A_176 = arith.constant 256 : i32
    %swap3A = arith.constant 0 : index
    %swap3A_177 = tpu.vector_load %arg10[%swap3A] {strides = array<i32>} : memref<16xf32, #tpu.memory_space<vmem>>, vector<16xf32>,
    tpu.vector_store %arg10[%swap3A], %scan3A_175 {strides = array<i32>} : memref<16xf32, #tpu.memory_space<vmem>>, vector<16xf32>,
    "tpu.region"() ({
      %run_scoped3A = tpu.sem_alloc : memref<!tpu.dma_semaphore, #tpu.memory_space<semaphore_mem>>
      %dma_start3A_178 = arith.constant 0 : i32
      %dma_start3A_179 = tpu.memref_slice %arg5[%add3A, %dma_start3A_178] : memref<32x16xf32, #tpu.memory_space<hbm>> -> memref<1x16xf32, #tpu.memory_space<hbm>>
      %dma_start3A_180 = tpu.memref_squeeze %dma_start3A_179 : memref<1x16xf32, #tpu.memory_space<hbm>> -> memref<16xf32, #tpu.memory_space<hbm>>
      %dma_start3A_181 = arith.constant 0 : i32
      %dma_start3A_182 = tpu.memref_slice %arg5[%add3A, %dma_start3A_181] : memref<32x16xf32, #tpu.memory_space<hbm>> -> memref<1x16xf32, #tpu.memory_space<hbm>>
      %dma_start3A_183 = tpu.memref_squeeze %dma_start3A_182 : memref<1x16xf32, #tpu.memory_space<hbm>> -> memref<16xf32, #tpu.memory_space<hbm>>
      tpu.enqueue_dma source(%arg10 : memref<16xf32, #tpu.memory_space<vmem>>) target(%dma_start3A_183 : memref<16xf32, #tpu.memory_space<hbm>>) target_semaphore(%run_scoped3A : memref<!tpu.dma_semaphore, #tpu.memory_space<semaphore_mem>>)
      %dma_wait3A_184 = arith.constant 0 : i32
      %dma_wait3A_185 = tpu.memref_slice %arg5[%add3A, %dma_wait3A_184] : memref<32x16xf32, #tpu.memory_space<hbm>> -> memref<1x16xf32, #tpu.memory_space<hbm>>
      %dma_wait3A_186 = tpu.memref_squeeze %dma_wait3A_185 : memref<1x16xf32, #tpu.memory_space<hbm>> -> memref<16xf32, #tpu.memory_space<hbm>>
      %dma_wait3A_187 = arith.constant 0 : i32
      %dma_wait3A_188 = tpu.memref_slice %arg5[%add3A, %dma_wait3A_187] : memref<32x16xf32, #tpu.memory_space<hbm>> -> memref<1x16xf32, #tpu.memory_space<hbm>>
      %dma_wait3A_189 = tpu.memref_squeeze %dma_wait3A_188 : memref<1x16xf32, #tpu.memory_space<hbm>> -> memref<16xf32, #tpu.memory_space<hbm>>
      tpu.wait_dma2 semaphore(%run_scoped3A : memref<!tpu.dma_semaphore, #tpu.memory_space<semaphore_mem>>) src(%arg10 : memref<16xf32, #tpu.memory_space<vmem>>) dst(%dma_wait3A_189 : memref<16xf32, #tpu.memory_space<hbm>>)
      tpu.yield
    }) : () -> ()
    return
  }
}

</mosaic_0001>

<sc_bundles>
// kernel: _center_loss.3.cloned.1.call-start
scs
__scs_entry_jumppad:
0x0: {  	(pc) =	sbr.rel $0x88, $3  }
0x1: {  	(tag) =	ssettag $0x0;
	lr =	simm.s32 $0x1  }
0x2: {  	[smem:$0x3F9E] =	sst lr;
	_ =	strace $0xD0000000  }
0x3: {  	_ = 	snop  }
0x4: {  	_ = 	snop  }
0x5: {  	_ = 	snop  }
0x6: {  	_ = 	snop  }
0x7: {  	_ = 	snop  }
__scs_overlays_trampoline_lowered:
0x8: {  	[smem:$0x3FAD] =	sst s0  }
0x9: {  	[smem:$0x3FAE] =	sst s1  }
0xa: {  	[smem:$0x3FAF] =	sst s2  }
0xb: {  	[smem:$0x3FB0] =	sst s3  }
0xc: {  	[smem:$0x3FB1] =	sst s4  }
0xd: {  	[smem:$0x3FB2] =	sst s5  }
0xe: {  	[smem:$0x3FB3] =	sst s6  }
0xf: {  	[smem:$0x3FB4] =	sst s7  }
0x10: {  	[smem:$0x3FB5] =	sst s8  }
0x11: {  	[smem:$0x3FB6] =	sst s9;
	s0 =	simm.s32 @!p0 $0x0  }
0x12: {  	s1 =	sld [smem:$0x3F9C];
	s0 =	simm.s32 @p0 $0x1  }
0x13: {  	[smem:$0x3FB7] =	sst s0;
	s0 =	simm.s32 @!p1 $0x0  }
0x14: {  	s2 =	sld [smem:$0x3F9B];
	s0 =	simm.s32 @p1 $0x1  }
0x15: {  	[smem:$0x3FB8] =	sst s0;
	s0 =	simm.s32 @!p2 $0x0  }
0x16: {  	s3 =	sld [smem:$0x3FDB];
	s0 =	simm.s32 @p2 $0x1  }
0x17: {  	s4 =	simm.s32 $0x1BF5;
	[smem:$0x3FBA] =	sst s0  }
0x18: {  	s0 =	sld [smem:$0x3F9D];
	_ =	swait.ge [sflag:s4], $0x0  }
0x19: {  	s7 =	sld [smem:$0x3F9E]  }
0x1a: {  	s8 =	sadd.s32 $0xFFFFE003, lr  }
0x1b: {  	s9 =	sadd.s32 $0xFFFFFEF7, lr;
	s5 =	simm.s32 $0xFFFFFFFF;
	p2 =	slt.u32 s8, $0xFFFFF086  }
0x1c: {  	p1 =	slt.u32 s9, $0xF7A;
	s5 =	simm.s32 @!p2 $0x0  }
0x1d: {  	s5 =	simm.s32 @p1 $0x1;
	p0 =	seq.s32 s7, s2  }
0x1e: {  	s7 =	smul.u32 @!p0 $0xF7A, s2;
	p2 =	seq.s32 @!p0 s5, $0x0  }
0x1f: {  	s9 =	smul.u32 $0xF7A, s1;
	s8 =	simm.s32 @!p0 $0x1BF5;
	p2 =	por !p2, p0  }
0x20: {  	[sflag:s8] =	ssyncset.s32 @!p0 $0xFFFFF086;
	s6 =	sadd.s32 @!p0 s3, s7;
	s7 =	simm.s32 @!p0 $0x108  }
0x21: {  	s3 =	sadd.s32 s3, s9;
	s6 =	sadd.s32 @!p0 $0x88, s6;
	s7 =	simm.s32 @p2 $0x1082  }
0x22: {  	[simem:s7], [sflag:s8] =	dma.local @!p0 [hbm:s6], $0xF7A  }
0x23: {  	s9 =	sor.u32 $0xD0000000, s2;
	s6 =	simm.s32 $0x108;
	_ =	swait.ge @!p0 [sflag:s8], $0x0  }
0x24: {  	s3 =	sadd.s32 $0x88, s3;
	s6 =	simm.s32 @!p1 $0x1082;
	[sflag:s4] =	ssyncset.s32 $0xFFFFF086  }
0x25: {  	[simem:s6], [sflag:s4] =	dma.local [hbm:s3], $0xF7A  }
0x26: {  	[smem:$0x3F9E] =	sst s1;
	(tag) =	ssettag s2;
	_ =	strace s9  }
0x27: {  	s1 =	sld [smem:$0x3FAE]  }
0x28: {  	s2 =	sld [smem:$0x3FAF]  }
0x29: {  	s4 =	sld [smem:$0x3FB1]  }
0x2a: {  	p0 =	seq.s32 s5, $0x0;
	s5 =	sld [smem:$0x3FB2]  }
0x2b: {  	s6 =	sld [smem:$0x3FB3]  }
0x2c: {  	s7 =	sld [smem:$0x3FB4]  }
0x2d: {  	s3 =	simm.s32 $0x108;
	s8 =	sld [smem:$0x3FB5]  }
0x2e: {  	s3 =	simm.s32 @!p0 $0x1082;
	s9 =	sld [smem:$0x3FB6]  }
0x2f: {  	lr =	sadd.s32 s0, s3;
	s0 =	sld [smem:$0x3FAD]  }
0x30: {  	s3 =	sld [smem:$0x3FB0]  }
0x31: {  	[smem:$0x3FB9] =	sst s10  }
0x32: {  	s10 =	sld [smem:$0x3FB7];
	_ =	sdelay $0x3  }
0x33: {  	p0 =	seq.s32 s10, $0x1;
	s10 =	sld [smem:$0x3FB9];
	_ =	sdelay $0x3  }
0x34: {  	[smem:$0x3FB9] =	sst s10  }
0x35: {  	s10 =	sld [smem:$0x3FB8];
	_ =	sdelay $0x3  }
0x36: {  	p1 =	seq.s32 s10, $0x1;
	s10 =	sld [smem:$0x3FB9];
	_ =	sdelay $0x3  }
0x37: {  	[smem:$0x3FB9] =	sst s10  }
0x38: {  	s10 =	sld [smem:$0x3FBA]  }
0x39: {  	_ = 	snop;
	(pc) =	sbr.ind lr, $3  }
0x3a: {  	_ = 	snop  }
0x3b: {  	_ = 	snop  }
0x3c: {  	p2 =	seq.s32 s10, $0x1;
	s10 =	sld [smem:$0x3FB9]  }
0x3d: {  	_ =	shalt  }
0x3e: {  	_ =	shalt  }
0x3f: {  	_ =	shalt  }
0x40: {  	_ =	shalt  }
0x41: {  	_ =	shalt  }
0x42: {  	_ =	shalt  }
0x43: {  	_ =	shalt  }
0x44: {  	_ =	shalt  }
0x45: {  	_ =	shalt  }
0x46: {  	_ =	shalt  }
0x47: {  	_ =	shalt  }
0x48: {  	_ =	shalt  }
0x49: {  	_ =	shalt  }
0x4a: {  	_ =	shalt  }
0x4b: {  	_ =	shalt  }
0x4c: {  	_ =	shalt  }
0x4d: {  	_ =	shalt  }
0x4e: {  	_ =	shalt  }
0x4f: {  	_ =	shalt  }
0x50: {  	_ =	shalt  }
0x51: {  	_ =	shalt  }
0x52: {  	_ =	shalt  }
0x53: {  	_ =	shalt  }
0x54: {  	_ =	shalt  }
0x55: {  	_ =	shalt  }
0x56: {  	_ =	shalt  }
0x57: {  	_ =	shalt  }
0x58: {  	_ =	shalt  }
0x59: {  	_ =	shalt  }
0x5a: {  	_ =	shalt  }
0x5b: {  	_ =	shalt  }
0x5c: {  	_ =	shalt  }
0x5d: {  	_ =	shalt  }
0x5e: {  	_ =	shalt  }
0x5f: {  	_ =	shalt  }
0x60: {  	_ =	shalt  }
0x61: {  	_ =	shalt  }
0x62: {  	_ =	shalt  }
0x63: {  	_ =	shalt  }
0x64: {  	_ =	shalt  }
0x65: {  	_ =	shalt  }
0x66: {  	_ =	shalt  }
0x67: {  	_ =	shalt  }
0x68: {  	_ =	shalt  }
0x69: {  	_ =	shalt  }
0x6a: {  	_ =	shalt  }
0x6b: {  	_ =	shalt  }
0x6c: {  	_ =	shalt  }
0x6d: {  	_ =	shalt  }
0x6e: {  	_ =	shalt  }
0x6f: {  	_ =	shalt  }
0x70: {  	_ =	shalt  }
0x71: {  	_ =	shalt  }
0x72: {  	_ =	shalt  }
0x73: {  	_ =	shalt  }
0x74: {  	_ =	shalt  }
0x75: {  	_ =	shalt  }
0x76: {  	_ =	shalt  }
0x77: {  	_ =	shalt  }
0x78: {  	_ =	shalt  }
0x79: {  	_ =	shalt  }
0x7a: {  	_ =	shalt  }
0x7b: {  	_ =	shalt  }
0x7c: {  	_ =	shalt  }
0x7d: {  	_ =	shalt  }
0x7e: {  	_ =	shalt  }
0x7f: {  	_ =	shalt  }
0x80: {  	_ =	shalt  }
0x81: {  	_ =	shalt  }
0x82: {  	_ =	shalt  }
0x83: {  	_ =	shalt  }
0x84: {  	_ =	shalt  }
0x85: {  	_ =	shalt  }
0x86: {  	_ =	shalt  }
0x87: {  	_ =	shalt  }
.Lfunc_end0:
.L_simem_size_0:
called_computation_lowered:
.L_overlay_start_0:
0x88: {  	s2 =	sld [smem:$0x3FD9]  }
0x89: {  	s3 =	sld [smem:$0x3FFE];
	_ =	sdelay $0x1  }
0x8a: {  	s1 =	srdreg.scid  }
0x8b: {  	s0 =	sand.u32 $0x1, s1  }
0x8c: {  	s17 =	sshll.u32 s0, $0xA;
	s2 =	sadd.s32 s3, s2  }
0x8d: {  	s2 =	sadd.s32 s2, s17  }
0x8e: {  	[smem:$0x3FC5] =	sst s2  }
0x8f: {  	_ = 	snop  }
0x90: {  	s2 =	sld [smem:$0x3FC9]  }
0x91: {  	s18 =	sld [smem:$0x3FC8]  }
0x92: {  	s4 =	sld [smem:$0x3FC7];
	(tm) =	ssettm $0x1  }
0x93: {  	s5 =	sld [smem:$0x3FFB];
	_ =	sdelay $0x3  }
0x94: {  	_ =	strace s5  }
0x95: {  	s5 =	sld [smem:$0x3FFC];
	_ =	sdelay $0x3  }
0x96: {  	_ =	strace s5  }
0x97: {  	s5 =	sld [smem:$0x3FFD];
	_ =	sdelay $0x3  }
0x98: {  	_ =	strace s5  }
0x99: {  	_ =	strace $0x8FFFFFFF  }
0x9a: {  	s19 =	sld [smem:$0x3FDB];
	_ =	sdelay $0x1  }
0x9b: {  	s6 =	simm.s32 $_scs_section_size  }
0x9c: {  	s7 =	simm.s32 $_size__tile_overlayer_lowered;
	s8 =	simm.s32 $_tile_overlayer_lowered  }
0x9d: {  	s22 =	simm.s32 $0x1BFF;
	s21 =	sshll.u32 s8, $0x1;
	s5 =	sadd.s32 s6, s19  }
0x9e: {  	s9 =	simm.s32 $0x0;
	s20 =	sshll.u32 s7, $0x1;
	s7 =	sadd.s32 s21, s5  }
0x9f: {  	[timem:s9], [sflag:s22] =	dma.local [hbm:s7], s20  }
0xa0: {  	_ =	swait.ge [sflag:s22], s20  }
0xa1: {  	s6 =	ssub.s32 $0x0, s20;
	[sflag:s22] =	ssyncset.done $0x0  }
0xa2: {  	[sflag:s22] =	ssyncadd.s32 s6;
	_ =	sdelay $0x1  }
0xa3: {  	s23 =	simm.s32 $0x1B8B  }
0xa4: {  	_ =	swait.ge [sflag:s23], $0x1  }
0xa5: {  	[sflag:s23] =	ssyncset.done $0x0  }
0xa6: {  	s25 =	simm.s32 $0x1B8E;
	s24 =	sld [smem:$0x3FFE];
	[sflag:s23] =	ssyncadd.s32 $0xFFFFFFFF  }
0xa7: {  	s26 =	simm.s32 $execute0_lowered;
	[smem:$0x3FD2] =	sst s25  }
0xa8: {  	s7 =	sshll.u32 s26, $0x1;
	_ =	strace $0x80000046;
	[dreg:$0x1] =	wrdreg $0xFFFFFFFF  }
0xa9: {  	s28 =	simm.s32 $_size_execute0_lowered;
	s5 =	sadd.s32 s5, s7;
	[dreg:$0x0] =	wrdreg $0x0  }
0xaa: {  	s7 =	sshll.u32 s28, $0x1;
	[dreg:$0x2] =	wrdreg s5  }
0xab: {  	[dreg:$0x3] =	wrdreg s7  }
0xac: {  	[dreg:$0x4] =	wrdreg $0xC0  }
0xad: {  	_ =	task [dreg:s9], $0x5FFFF  }
0xae: {  	[dreg:$0x1] =	wrdreg $0xFFFFFFFF  }
0xaf: {  	[dreg:$0x0] =	wrdreg $0x60  }
0xb0: {  	[dreg:$0x2] =	wrdreg s2  }
0xb1: {  	[dreg:$0x3] =	wrdreg s18  }
0xb2: {  	[dreg:$0x4] =	wrdreg s4  }
0xb3: {  	[dreg:$0x5] =	wrdreg s24  }
0xb4: {  	[dreg:$0x6] =	wrdreg $0x9  }
0xb5: {  	_ =	task.clear_ibuf [dreg:s9], $0x7FFFF;
	_ =	strace $0x90000046  }
0xb6: {  	s29 =	simm.s32 $0x9;
	_ =	strace $0x80000048  }
0xb7: {  	_ =	swait.ge [sflag:s29], $0x1  }
0xb8: {  	[sflag:s29] =	ssyncadd.s32 $0xFFFFFFFF  }
0xb9: {  	_ =	strace $0x90000048  }
0xba: {  	_ =	sfence  }
0xbb: {  	s30 =	sld [smem:$0x0];
	_ =	sdelay $0x2  }
0xbc: {  	s31 =	sshll.u32 s1, $0xD;
	s1 =	sshrl.u32 s1, $0x2  }
0xbd: {  	s3 =	sand.u32 $0x4000, s31;
	s1 =	sadd.s32 s1, s30  }
0xbe: {  	s0 =	sor.u32 s3, s0;
	s1 =	sshll.u32 s1, $0x11  }
0xbf: {  	s0 =	sor.u32 s1, s0  }
0xc0: {  	s0 =	sadd.s32 $0x8F2B, s0  }
0xc1: {  	[sflag:s0] =	ssyncadd.remote.s32 $0x1  }
0xc2: {  	_ =	sfence.sel $0xFFFF  }
0xc3: {  	[dreg:$0x0] =	wrdreg $0xFFFFFFFF;
	(pc) =	sbr.abs _section_cstart, $3  }
0xc4: {  	[dreg:$0x1] =	wrdreg $0xFFFFFFFF  }
0xc5: {  	_ =	task.clear_ibuf [dreg:s9], $0x2FFFF;
	_ =	strace $0x9FFFFFFF  }
0xc6: {  	(tm) =	ssettm $0x7FFFFFFF  }
0xc7: {  	_ =	shalt  }
tec
execute0_lowered:
.L_overlay_start_1:
0x0: {  	(tag) =	ssettag $0x1  }
0x1: {  	s9 =	rddreg [dreg:$0x0]  }
0x2: {  	s2 =	rddreg [dreg:$0x1]  }
0x3: {  	s10 =	rddreg [dreg:$0x2]  }
0x4: {  	s14 =	rddreg [dreg:$0x3];
	s3 =	srdreg.scid  }
0x5: {  	s1 =	stileid.u32;
	s21 =	simm.s32 $0x1;
	s22 =	simm.s32 $0x1D700  }
0x6: {  	s23 =	simm.s32 $0x3;
	s24 =	simm.s32 $0x1E700;
	s25 =	simm.s32 $0x4  }
0x7: {  	s4 =	sand.u32 $0x1, s3;
	s5 =	sshll.u32 s1, $0x1;
	s3 =	simm.s32 $0x0  }
0x8: {  	s26 =	sshrl.u32 s1, $0x1;
	s29 =	sadd.s32 $0x1000, s9;
	s17 =	sadd.s32 $0x2000, s9  }
0x9: {  	s19 =	sadd.s32 $0x3000, s9;
	s12 =	sor.u32 s4, s5;
	[smem:$0x7FF] =	sst s3  }
0xa: {  	s8 =	smul.u32 $0xC3800, s26;
	s11 =	sshll.u32 s26, $0x11;
	s4 =	ssub.s32 $0x2, s4  }
0xb: {  	s26 =	simm.s32 $0x0;
	s6 =	sshll.u32 s12, $0x8;
	_ =	strace $0x80000047  }
0xc: {  	s13 =	sshrl.u32 s4, $0x1;
	s31 =	sshll.u32 s12, $0x4;
	s6 =	sand.u32 $0x300, s6  }
0xd: {  	s16 =	ssub.s32 s4, s13;
	s14 =	sadd.s32 s14, s31;
	s28 =	sor.u32 s8, s6  }
0xe: {  	s7 =	sor.u32 s11, s6;
	s18 =	sor.u32 $0x80, s6;
	s5 =	sshrl.u32 s28, $0x3  }
0xf: {  	s15 =	sshrl.u32 s7, $0x3;
	s11 =	sor.u32 s11, s18;
	s30 =	sor.u32 s8, s18  }
0x10: {  	s18 =	simm.s32 $0x1C700;
	s4 =	sadd.s32 s10, s5;
	s5 =	sadd.s32 s9, s15  }
0x11: {  	s6 =	sadd.s32 s15, s29;
	s7 =	sadd.s32 s15, s17;
	s20 =	sshrl.u32 s11, $0x3  }
0x12: {  	s8 =	sadd.s32 s15, s19;
	s11 =	sshrl.u32 s30, $0x3;
	s15 =	smax.u32 s16, $0x1  }
0x13: {  	s16 =	simm.s32 $0x80;
	s9 =	sadd.s32 s9, s20;
	s10 =	sadd.s32 s10, s11  }
0x14: {  	s11 =	sadd.s32 s20, s29;
	s12 =	sadd.s32 s20, s17;
	s13 =	sadd.s32 s20, s19  }
0x15: {  	s17 =	simm.s32 $0x400;
	s19 =	simm.s32 $0x18700;
	s20 =	simm.s32 $0x2  }
.LBB2_1:
0x16: {  	[tilespmem:s3], [sflag:$0x1] =	stream.strided.gather [hbm4b:s4+s16], $0x18700, s17, s16, $0x38;
	[tilespmem:$0x1E780] =	vst v63  }
0x17: {  	_ = 	snop  }
0x18: {  	[tilespmem:s18], [sflag:$0x3] =	stream.strided.gather [hbm4b:s5+s16], $0x1000, s17, s16, $0x38;
	[tilespmem:$0x1E780] =	vst v63  }
0x19: {  	_ = 	snop  }
0x1a: {  	[tilespmem:s19], [sflag:$0x2] =	stream.linear.gather [hbm4b:s2+s3], $0x4000, $0x38;
	[tilespmem:$0x1E780] =	vst v63  }
0x1b: {  	_ =	swait.ge [sflag:s20], $0x4000  }
0x1c: {  	[sflag:s20] =	ssyncset.done $0x0  }
0x1d: {  	[sflag:s20] =	ssyncadd.s32 $0xFFFFC000  }
0x1e: {  	_ =	swait.ge [sflag:s21], $0x18700  }
0x1f: {  	[sflag:s21] =	ssyncset.done $0x0  }
0x20: {  	[sflag:s21] =	ssyncadd.s32 $0xFFFE7900  }
0x21: {  	[tilespmem:s22], [sflag:$0x3] =	stream.strided.gather [hbm4b:s6+s16], $0x1000, s17, s16, $0x38;
	[tilespmem:$0x1E780] =	vst v63  }
0x22: {  	_ =	swait.ge [sflag:s23], $0x1000  }
0x23: {  	[sflag:s23] =	ssyncset.done $0x0  }
0x24: {  	s28 =	simm.s32 $0x18720;
	[sflag:s23] =	ssyncadd.s32 $0xFFFFF000  }
0x25: {  	v0 =	vld [tilespmem:s28+$0xFFFFFFE0];
	_ =	sdelay $0x1  }
0x26: {  	v1 =	vld [tilespmem:s28+$0xFFFFFFF0]  }
0x27: {  	s29 =	simm.s32 $0x1C720;
	v2 =	vld [tilespmem:s28+$0x0]  }
0x28: {  	v3 =	vld [tilespmem:s29+$0x0]  }
0x29: {  	v4 =	vld [tilespmem:s28+$0x10]  }
0x2a: {  	v5 =	vld [tilespmem:s29+$0xFFFFFFF0]  }
0x2b: {  	v6 =	vld [tilespmem:s29+$0xFFFFFFE0]  }
0x2c: {  	s30 =	simm.s32 $0x18760;
	v0 =	vld.idx.msk [tilespmem:v0+s3+$0x0], $0xffff  }
0x2d: {  	v7 =	vld [tilespmem:s30+$0xFFFFFFE0]  }
0x2e: {  	v1 =	vld.idx.msk [tilespmem:v1+s3+$0x0], $0xffff  }
0x2f: {  	v9 =	vld [tilespmem:s30+$0xFFFFFFF0]  }
0x30: {  	v8 =	vld.idx.msk [tilespmem:v2+s3+$0x0], $0xffff  }
0x31: {  	v4 =	vld.idx.msk [tilespmem:v4+s3+$0x0], $0xffff;
	v0 =	vsub.f32 v6, v0  }
0x32: {  	v6 =	vld [tilespmem:s29+$0x10]  }
0x33: {  	v2 =	vld [tilespmem:s30+$0x0];
	v1 =	vsub.f32 v5, v1;
	v10 =	vmul.f32 v0, v0  }
0x34: {  	v11 =	vimm.f32 $0.0e+00;
	v5 =	vld [tilespmem:s30+$0x10]  }
0x35: {  	s28 =	simm.s32 $0x1C760;
	v8 =	vsub.f32 v3, v8;
	v3 =	vld.idx.msk [tilespmem:v7+s3+$0x0], $0xffff;
	v10 =	vadd.f32 v10, v11;
	v11 =	vmul.f32 v1, v1  }
0x36: {  	v0 =	vld [tilespmem:s28+$0x0]  }
0x37: {  	v8 =	vmul.f32 v8, v8;
	v1 =	vld [tilespmem:s28+$0xFFFFFFF0];
	v7 =	vadd.f32 v11, v10;
	v10 =	vsub.f32 v6, v4  }
0x38: {  	v6 =	vld [tilespmem:s28+$0xFFFFFFE0]  }
0x39: {  	s29 =	simm.s32 $0x4;
	s30 =	simm.s32 $0x187A0;
	v4 =	vld.idx.msk [tilespmem:v9+s3+$0x0], $0xffff;
	v7 =	vadd.f32 v8, v7;
	v8 =	vmul.f32 v10, v10  }
.LBB2_2:
0x3a: {  	v9 =	vld [tilespmem:s30+$0xFFFFFFE0]  }
0x3b: {  	s29 =	sadd.s32 $0x4, s29;
	v10 =	vld.idx.msk [tilespmem:v2+s3+$0x0], $0xffff;
	v7 =	vadd.f32 v8, v7  }
0x3c: {  	p0 =	slt.u32 s29, $0xFC;
	v8 =	vld [tilespmem:s30+$0xFFFFFFF0]  }
0x3d: {  	v3 =	vsub.f32 v6, v3;
	v6 =	vld.idx.msk [tilespmem:v5+s3+$0x0], $0xffff  }
0x3e: {  	v11 =	vld [tilespmem:s28+$0x10]  }
0x3f: {  	v1 =	vsub.f32 v1, v4;
	s28 =	sadd.s32 $0x40, s28;
	v2 =	vld [tilespmem:s30+$0x0];
	v3 =	vmul.f32 v3, v3  }
0x40: {  	v12 =	vld [tilespmem:s28+$0x0]  }
.Ltmp0:
0x41: {  	v0 =	vsub.f32 v0, v10;
	v5 =	vld [tilespmem:s30+$0x10];
	v4 =	vadd.f32 v3, v7;
	v7 =	vmul.f32 v1, v1;
	(pc) =	sbr.rel @p0 .LBB2_2-.Ltmp0, $4  }
0x42: {  	v1 =	vld [tilespmem:s28+$0xFFFFFFF0]  }
0x43: {  	v10 =	vmul.f32 v0, v0;
	v3 =	vld.idx.msk [tilespmem:v9+s3+$0x0], $0xffff;
	v7 =	vadd.f32 v7, v4;
	v9 =	vsub.f32 v11, v6  }
0x44: {  	v6 =	vld [tilespmem:s28+$0xFFFFFFE0]  }
0x45: {  	s30 =	sadd.s32 $0x40, s30;
	v4 =	vld.idx.msk [tilespmem:v8+s3+$0x0], $0xffff;
	v7 =	vadd.f32 v10, v7;
	v8 =	vmul.f32 v9, v9;
	v0 =	vmov v12  }
0x46: {  	_ =	sdelay $0x3  }
0x47: {  	v2 =	vld.idx.msk [tilespmem:v2+s3+$0x0], $0xffff  }
0x48: {  	v5 =	vld.idx.msk [tilespmem:v5+s3+$0x0], $0xffff  }
0x49: {  	v9 =	vld [tilespmem:s28+$0x10];
	[tilespmem:s18], [sflag:$0x3] =	stream.strided.gather [hbm4b:s7+s16], $0x1000, s17, s16, $0x38  }
0x4a: {  	_ =	swait.ge [sflag:s23], $0x1000  }
0x4b: {  	s28 =	simm.s32 $0x0;
	[sflag:s23] =	ssyncset.done $0x0  }
0x4c: {  	s28 =	sand.u32 $0xFC0, s28;
	[sflag:s23] =	ssyncadd.s32 $0xFFFFF000  }
0x4d: {  	v10 =	vld [tilespmem:s28+$0x19700]  }
0x4e: {  	s28 =	simm.s32 $0x19730  }
0x4f: {  	s29 =	simm.s32 $0x1D720;
	v11 =	vld [tilespmem:s28+$0xFFFFFFE0]  }
0x50: {  	v13 =	vld [tilespmem:s29+$0x0]  }
0x51: {  	v12 =	vld [tilespmem:s28+$0xFFFFFFF0]  }
0x52: {  	v3 =	vsub.f32 v6, v3;
	v14 =	vld [tilespmem:s28+$0x0]  }
0x53: {  	v6 =	vld [tilespmem:s29+$0xFFFFFFF0]  }
0x54: {  	v7 =	vadd.f32 v8, v7;
	v1 =	vsub.f32 v1, v4;
	v4 =	vld [tilespmem:s29+$0xFFFFFFE0];
	v3 =	vmul.f32 v3, v3;
	s28 =	simm.s32 $0x40  }
0x55: {  	s28 =	sand.u32 $0xFC0, s28;
	v10 =	vld.idx.msk [tilespmem:v10+s3+$0x0], $0xffff  }
0x56: {  	v0 =	vsub.f32 v0, v2;
	v1 =	vmul.f32 v1, v1;
	v3 =	vadd.f32 v3, v7;
	v7 =	vld [tilespmem:s28+$0x19700]  }
0x57: {  	s28 =	simm.s32 $0x19770;
	v8 =	vld.idx.msk [tilespmem:v11+s3+$0x0], $0xffff  }
0x58: {  	v0 =	vmul.f32 v0, v0;
	v2 =	vld [tilespmem:s28+$0xFFFFFFE0];
	v1 =	vadd.f32 v1, v3;
	v3 =	vsub.f32 v9, v5  }
0x59: {  	v11 =	vld.idx.msk [tilespmem:v12+s3+$0x0], $0xffff  }
0x5a: {  	v0 =	vadd.f32 v0, v1;
	v1 =	vmul.f32 v3, v3;
	v9 =	vld.idx.msk [tilespmem:v14+s3+$0x0], $0xffff;
	v4 =	vsub.f32 v4, v10  }
0x5b: {  	v10 =	vld [tilespmem:s29+$0x10]  }
0x5c: {  	v3 =	vld [tilespmem:s28+$0xFFFFFFF0];
	v1 =	vadd.f32 v1, v0;
	s29 =	simm.s32 $0x1D760;
	v6 =	vsub.f32 v6, v8;
	v4 =	vmul.f32 v4, v4  }
0x5d: {  	v0 =	vld [tilespmem:s29+$0x0]  }
0x5e: {  	v5 =	vld [tilespmem:s28+$0x0];
	v11 =	vsub.f32 v13, v11;
	v6 =	vmul.f32 v6, v6;
	v8 =	vadd.f32 v4, v1  }
0x5f: {  	v1 =	vld [tilespmem:s29+$0xFFFFFFF0]  }
0x60: {  	v4 =	vld.idx.msk [tilespmem:v7+s3+$0x0], $0xffff;
	v9 =	vsub.f32 v10, v9;
	v7 =	vadd.f32 v6, v8;
	v8 =	vmul.f32 v11, v11  }
0x61: {  	s30 =	simm.s32 $0x4;
	s31 =	simm.s32 $0x80;
	v6 =	vld [tilespmem:s29+$0xFFFFFFE0]  }
.LBB2_4:
0x62: {  	s0 =	sand.u32 $0xFC0, s31;
	v10 =	vld.idx.msk [tilespmem:v2+s3+$0x0], $0xffff;
	v2 =	vadd.f32 v8, v7;
	v7 =	vmul.f32 v9, v9;
	v8 =	vmov v0  }
0x63: {  	s30 =	sadd.s32 $0x4, s30;
	v9 =	vld [tilespmem:s0+$0x19700]  }
0x64: {  	s28 =	sadd.s32 $0x40, s28;
	p0 =	slt.u32 s30, $0xFC;
	v11 =	vld.idx.msk [tilespmem:v3+s3+$0x0], $0xffff;
	v7 =	vadd.f32 v7, v2  }
0x65: {  	v2 =	vld [tilespmem:s28+$0xFFFFFFE0]  }
0x66: {  	v0 =	vsub.f32 v6, v4;
	v6 =	vld.idx.msk [tilespmem:v5+s3+$0x0], $0xffff  }
0x67: {  	v12 =	vld [tilespmem:s29+$0x10]  }
0x68: {  	v1 =	vsub.f32 v1, v10;
	s29 =	sadd.s32 $0x40, s29;
	v3 =	vld [tilespmem:s28+$0xFFFFFFF0];
	v4 =	vmul.f32 v0, v0  }
.Ltmp1:
0x69: {  	v0 =	vld [tilespmem:s29+$0x0];
	(pc) =	sbr.rel @p0 .LBB2_4-.Ltmp1, $4  }
0x6a: {  	v10 =	vmul.f32 v1, v1;
	v8 =	vsub.f32 v8, v11;
	v5 =	vld [tilespmem:s28+$0x0];
	v7 =	vadd.f32 v4, v7  }
0x6b: {  	v1 =	vld [tilespmem:s29+$0xFFFFFFF0]  }
0x6c: {  	v8 =	vmul.f32 v8, v8;
	v4 =	vld.idx.msk [tilespmem:v9+s3+$0x0], $0xffff;
	v7 =	vadd.f32 v10, v7;
	v9 =	vsub.f32 v12, v6  }
0x6d: {  	s31 =	sadd.s32 $0x40, s31;
	v6 =	vld [tilespmem:s29+$0xFFFFFFE0]  }
0x6e: {  	_ =	sdelay $0x3  }
0x6f: {  	v2 =	vld.idx.msk [tilespmem:v2+s3+$0x0], $0xffff  }
0x70: {  	v3 =	vld.idx.msk [tilespmem:v3+s3+$0x0], $0xffff  }
0x71: {  	v10 =	vld [tilespmem:s29+$0x10]  }
0x72: {  	v5 =	vld.idx.msk [tilespmem:v5+s3+$0x0], $0xffff;
	[tilespmem:s22], [sflag:$0x3] =	stream.strided.gather [hbm4b:s8+s16], $0x1000, s17, s16, $0x38  }
0x73: {  	_ =	swait.ge [sflag:s23], $0x1000  }
0x74: {  	s0 =	simm.s32 $0x0;
	[sflag:s23] =	ssyncset.done $0x0  }
0x75: {  	s0 =	sand.u32 $0xFC0, s0;
	[sflag:s23] =	ssyncadd.s32 $0xFFFFF000  }
0x76: {  	v11 =	vld [tilespmem:s0+$0x1A700]  }
0x77: {  	s0 =	simm.s32 $0x1A730  }
0x78: {  	s29 =	simm.s32 $0x1C720;
	v12 =	vld [tilespmem:s0+$0xFFFFFFE0]  }
0x79: {  	v14 =	vld [tilespmem:s29+$0x0]  }
0x7a: {  	v13 =	vld [tilespmem:s0+$0xFFFFFFF0]  }
0x7b: {  	v7 =	vadd.f32 v8, v7;
	v8 =	vmul.f32 v9, v9;
	v4 =	vsub.f32 v6, v4;
	v15 =	vld [tilespmem:s0+$0x0]  }
0x7c: {  	v6 =	vld [tilespmem:s29+$0xFFFFFFF0]  }
0x7d: {  	v7 =	vadd.f32 v8, v7;
	v1 =	vsub.f32 v1, v2;
	v8 =	vld [tilespmem:s29+$0xFFFFFFE0];
	v4 =	vmul.f32 v4, v4;
	s0 =	simm.s32 $0x40  }
0x7e: {  	s0 =	sand.u32 $0xFC0, s0;
	v9 =	vld.idx.msk [tilespmem:v11+s3+$0x0], $0xffff  }
0x7f: {  	v0 =	vsub.f32 v0, v3;
	v1 =	vmul.f32 v1, v1;
	v2 =	vadd.f32 v4, v7;
	v4 =	vld [tilespmem:s0+$0x1A700]  }
0x80: {  	s28 =	simm.s32 $0x1A770;
	v11 =	vld.idx.msk [tilespmem:v12+s3+$0x0], $0xffff  }
0x81: {  	v3 =	vsub.f32 v10, v5;
	v0 =	vmul.f32 v0, v0;
	v1 =	vadd.f32 v1, v2;
	v2 =	vld [tilespmem:s28+$0xFFFFFFE0]  }
0x82: {  	v7 =	vld.idx.msk [tilespmem:v13+s3+$0x0], $0xffff  }
0x83: {  	v0 =	vadd.f32 v0, v1;
	v1 =	vmul.f32 v3, v3;
	v10 =	vld.idx.msk [tilespmem:v15+s3+$0x0], $0xffff;
	v5 =	vsub.f32 v8, v9  }
0x84: {  	v9 =	vld [tilespmem:s29+$0x10]  }
0x85: {  	v3 =	vld [tilespmem:s28+$0xFFFFFFF0];
	v1 =	vadd.f32 v1, v0;
	s29 =	simm.s32 $0x1C760;
	v6 =	vsub.f32 v6, v11;
	v8 =	vmul.f32 v5, v5  }
0x86: {  	v0 =	vld [tilespmem:s29+$0x0]  }
0x87: {  	v11 =	vsub.f32 v14, v7;
	v5 =	vld [tilespmem:s28+$0x0];
	v6 =	vmul.f32 v6, v6;
	v8 =	vadd.f32 v8, v1  }
0x88: {  	v4 =	vld.idx.msk [tilespmem:v4+s3+$0x0], $0xffff  }
0x89: {  	v1 =	vld [tilespmem:s29+$0xFFFFFFF0];
	v9 =	vsub.f32 v9, v10;
	v7 =	vadd.f32 v6, v8;
	v8 =	vmul.f32 v11, v11  }
0x8a: {  	s30 =	simm.s32 $0x4;
	s31 =	simm.s32 $0x80;
	v6 =	vld [tilespmem:s29+$0xFFFFFFE0]  }
.LBB2_6:
0x8b: {  	s0 =	sand.u32 $0xFC0, s31;
	v10 =	vld.idx.msk [tilespmem:v2+s3+$0x0], $0xffff;
	v2 =	vadd.f32 v8, v7;
	v7 =	vmul.f32 v9, v9;
	v8 =	vmov v0  }
0x8c: {  	s30 =	sadd.s32 $0x4, s30;
	v9 =	vld [tilespmem:s0+$0x1A700]  }
0x8d: {  	s28 =	sadd.s32 $0x40, s28;
	p0 =	slt.u32 s30, $0xFC;
	v11 =	vld.idx.msk [tilespmem:v3+s3+$0x0], $0xffff;
	v7 =	vadd.f32 v7, v2  }
0x8e: {  	v2 =	vld [tilespmem:s28+$0xFFFFFFE0]  }
0x8f: {  	v0 =	vsub.f32 v6, v4;
	v6 =	vld.idx.msk [tilespmem:v5+s3+$0x0], $0xffff  }
0x90: {  	v12 =	vld [tilespmem:s29+$0x10]  }
0x91: {  	v1 =	vsub.f32 v1, v10;
	s29 =	sadd.s32 $0x40, s29;
	v3 =	vld [tilespmem:s28+$0xFFFFFFF0];
	v4 =	vmul.f32 v0, v0  }
.Ltmp2:
0x92: {  	v0 =	vld [tilespmem:s29+$0x0];
	(pc) =	sbr.rel @p0 .LBB2_6-.Ltmp2, $4  }
0x93: {  	v10 =	vmul.f32 v1, v1;
	v8 =	vsub.f32 v8, v11;
	v5 =	vld [tilespmem:s28+$0x0];
	v7 =	vadd.f32 v4, v7  }
0x94: {  	v1 =	vld [tilespmem:s29+$0xFFFFFFF0]  }
0x95: {  	v8 =	vmul.f32 v8, v8;
	v4 =	vld.idx.msk [tilespmem:v9+s3+$0x0], $0xffff;
	v7 =	vadd.f32 v10, v7;
	v9 =	vsub.f32 v12, v6  }
0x96: {  	s31 =	sadd.s32 $0x40, s31;
	v6 =	vld [tilespmem:s29+$0xFFFFFFE0]  }
0x97: {  	_ =	sdelay $0x3  }
0x98: {  	v2 =	vld.idx.msk [tilespmem:v2+s3+$0x0], $0xffff  }
0x99: {  	v3 =	vld.idx.msk [tilespmem:v3+s3+$0x0], $0xffff  }
0x9a: {  	v10 =	vld [tilespmem:s29+$0x10]  }
0x9b: {  	v5 =	vld.idx.msk [tilespmem:v5+s3+$0x0], $0xffff;
	[tilespmem:s18], [sflag:$0x3] =	stream.strided.gather [hbm4b:s9+s16], $0x1000, s17, s16, $0x38  }
0x9c: {  	_ =	swait.ge [sflag:s23], $0x1000  }
0x9d: {  	s0 =	simm.s32 $0x0;
	[sflag:s23] =	ssyncset.done $0x0  }
0x9e: {  	s0 =	sand.u32 $0xFC0, s0;
	[sflag:s23] =	ssyncadd.s32 $0xFFFFF000  }
0x9f: {  	v11 =	vld [tilespmem:s0+$0x1B700]  }
0xa0: {  	s0 =	simm.s32 $0x1B730  }
0xa1: {  	s29 =	simm.s32 $0x1D720;
	v12 =	vld [tilespmem:s0+$0xFFFFFFE0]  }
0xa2: {  	v14 =	vld [tilespmem:s29+$0x0]  }
0xa3: {  	v13 =	vld [tilespmem:s0+$0xFFFFFFF0]  }
0xa4: {  	v7 =	vadd.f32 v8, v7;
	v8 =	vmul.f32 v9, v9;
	v4 =	vsub.f32 v6, v4;
	v15 =	vld [tilespmem:s0+$0x0]  }
0xa5: {  	v6 =	vld [tilespmem:s29+$0xFFFFFFF0]  }
0xa6: {  	v7 =	vadd.f32 v8, v7;
	v1 =	vsub.f32 v1, v2;
	v8 =	vld [tilespmem:s29+$0xFFFFFFE0];
	v4 =	vmul.f32 v4, v4;
	s0 =	simm.s32 $0x40  }
0xa7: {  	s0 =	sand.u32 $0xFC0, s0;
	v9 =	vld.idx.msk [tilespmem:v11+s3+$0x0], $0xffff  }
0xa8: {  	v0 =	vsub.f32 v0, v3;
	v1 =	vmul.f32 v1, v1;
	v2 =	vadd.f32 v4, v7;
	v4 =	vld [tilespmem:s0+$0x1B700]  }
0xa9: {  	s28 =	simm.s32 $0x1B770;
	v11 =	vld.idx.msk [tilespmem:v12+s3+$0x0], $0xffff  }
0xaa: {  	v3 =	vsub.f32 v10, v5;
	v0 =	vmul.f32 v0, v0;
	v1 =	vadd.f32 v1, v2;
	v2 =	vld [tilespmem:s28+$0xFFFFFFE0]  }
0xab: {  	v7 =	vld.idx.msk [tilespmem:v13+s3+$0x0], $0xffff  }
0xac: {  	v0 =	vadd.f32 v0, v1;
	v1 =	vmul.f32 v3, v3;
	v10 =	vld.idx.msk [tilespmem:v15+s3+$0x0], $0xffff;
	v5 =	vsub.f32 v8, v9  }
0xad: {  	v9 =	vld [tilespmem:s29+$0x10]  }
0xae: {  	v3 =	vld [tilespmem:s28+$0xFFFFFFF0];
	v0 =	vadd.f32 v1, v0;
	s29 =	simm.s32 $0x1D760;
	v6 =	vsub.f32 v6, v11;
	v8 =	vmul.f32 v5, v5  }
0xaf: {  	v1 =	vld [tilespmem:s29+$0x0]  }
0xb0: {  	v11 =	vsub.f32 v14, v7;
	v5 =	vld [tilespmem:s28+$0x0];
	v6 =	vmul.f32 v6, v6;
	v8 =	vadd.f32 v8, v0  }
0xb1: {  	v4 =	vld.idx.msk [tilespmem:v4+s3+$0x0], $0xffff  }
0xb2: {  	v0 =	vld [tilespmem:s29+$0xFFFFFFF0];
	v9 =	vsub.f32 v9, v10;
	v7 =	vadd.f32 v6, v8;
	v8 =	vmul.f32 v11, v11  }
0xb3: {  	s30 =	simm.s32 $0x4;
	s31 =	simm.s32 $0x80;
	v6 =	vld [tilespmem:s29+$0xFFFFFFE0]  }
.LBB2_8:
0xb4: {  	s0 =	sand.u32 $0xFC0, s31;
	v10 =	vld.idx.msk [tilespmem:v2+s3+$0x0], $0xffff;
	v2 =	vadd.f32 v8, v7;
	v7 =	vmul.f32 v9, v9;
	v8 =	vmov v1  }
0xb5: {  	s30 =	sadd.s32 $0x4, s30;
	v9 =	vld [tilespmem:s0+$0x1B700]  }
0xb6: {  	s28 =	sadd.s32 $0x40, s28;
	p0 =	slt.u32 s30, $0xFC;
	v11 =	vld.idx.msk [tilespmem:v3+s3+$0x0], $0xffff;
	v7 =	vadd.f32 v7, v2  }
0xb7: {  	v2 =	vld [tilespmem:s28+$0xFFFFFFE0]  }
0xb8: {  	v1 =	vsub.f32 v6, v4;
	v6 =	vld.idx.msk [tilespmem:v5+s3+$0x0], $0xffff  }
0xb9: {  	v12 =	vld [tilespmem:s29+$0x10]  }
0xba: {  	v0 =	vsub.f32 v0, v10;
	s29 =	sadd.s32 $0x40, s29;
	v3 =	vld [tilespmem:s28+$0xFFFFFFF0];
	v4 =	vmul.f32 v1, v1  }
.Ltmp3:
0xbb: {  	v1 =	vld [tilespmem:s29+$0x0];
	(pc) =	sbr.rel @p0 .LBB2_8-.Ltmp3, $4  }
0xbc: {  	v10 =	vmul.f32 v0, v0;
	v8 =	vsub.f32 v8, v11;
	v5 =	vld [tilespmem:s28+$0x0];
	v7 =	vadd.f32 v4, v7  }
0xbd: {  	v0 =	vld [tilespmem:s29+$0xFFFFFFF0]  }
0xbe: {  	v8 =	vmul.f32 v8, v8;
	v4 =	vld.idx.msk [tilespmem:v9+s3+$0x0], $0xffff;
	v7 =	vadd.f32 v10, v7;
	v9 =	vsub.f32 v12, v6  }
0xbf: {  	s31 =	sadd.s32 $0x40, s31;
	v6 =	vld [tilespmem:s29+$0xFFFFFFE0]  }
0xc0: {  	_ =	sdelay $0x3  }
0xc1: {  	v2 =	vld.idx.msk [tilespmem:v2+s3+$0x0], $0xffff  }
0xc2: {  	v3 =	vld.idx.msk [tilespmem:v3+s3+$0x0], $0xffff  }
0xc3: {  	v10 =	vld [tilespmem:s29+$0x10]  }
0xc4: {  	v5 =	vld.idx.msk [tilespmem:v5+s3+$0x0], $0xffff;
	[tilespmem:s3], [sflag:$0x1] =	stream.strided.gather [hbm4b:s10+s16], $0x18700, s17, s16, $0x38  }
0xc5: {  	_ =	swait.ge [sflag:s21], $0x18700  }
0xc6: {  	[sflag:s21] =	ssyncset.done $0x0  }
0xc7: {  	[sflag:s21] =	ssyncadd.s32 $0xFFFE7900  }
0xc8: {  	[tilespmem:s22], [sflag:$0x3] =	stream.strided.gather [hbm4b:s11+s16], $0x1000, s17, s16, $0x38;
	[tilespmem:$0x1E780] =	vst v63  }
0xc9: {  	_ =	swait.ge [sflag:s23], $0x1000  }
0xca: {  	[sflag:s23] =	ssyncset.done $0x0  }
0xcb: {  	s0 =	simm.s32 $0x18720;
	[sflag:s23] =	ssyncadd.s32 $0xFFFFF000  }
0xcc: {  	v11 =	vld [tilespmem:s0+$0xFFFFFFE0];
	_ =	sdelay $0x1  }
0xcd: {  	v12 =	vld [tilespmem:s0+$0xFFFFFFF0]  }
0xce: {  	s28 =	simm.s32 $0x1C720;
	v13 =	vld [tilespmem:s0+$0x0]  }
0xcf: {  	v14 =	vld [tilespmem:s28+$0x0]  }
0xd0: {  	v7 =	vadd.f32 v8, v7;
	v8 =	vmul.f32 v9, v9;
	v4 =	vsub.f32 v6, v4;
	v6 =	vld [tilespmem:s0+$0x10]  }
0xd1: {  	v9 =	vld [tilespmem:s28+$0xFFFFFFF0]  }
0xd2: {  	v7 =	vadd.f32 v8, v7;
	v0 =	vsub.f32 v0, v2;
	v4 =	vmul.f32 v4, v4;
	v8 =	vld [tilespmem:s28+$0xFFFFFFE0]  }
0xd3: {  	s31 =	simm.s32 $0x18760;
	v2 =	vld.idx.msk [tilespmem:v11+s3+$0x0], $0xffff  }
0xd4: {  	v1 =	vsub.f32 v1, v3;
	v0 =	vmul.f32 v0, v0;
	v4 =	vadd.f32 v4, v7;
	v7 =	vld [tilespmem:s31+$0xFFFFFFE0]  }
0xd5: {  	v3 =	vld.idx.msk [tilespmem:v12+s3+$0x0], $0xffff  }
0xd6: {  	v1 =	vmul.f32 v1, v1;
	v0 =	vadd.f32 v0, v4;
	v4 =	vsub.f32 v10, v5;
	v10 =	vld.idx.msk [tilespmem:v13+s3+$0x0], $0xffff  }
0xd7: {  	v11 =	vld [tilespmem:s31+$0xFFFFFFF0]  }
0xd8: {  	v0 =	vadd.f32 v1, v0;
	v1 =	vmul.f32 v4, v4;
	v6 =	vld.idx.msk [tilespmem:v6+s3+$0x0], $0xffff;
	v4 =	vsub.f32 v8, v2  }
0xd9: {  	v8 =	vld [tilespmem:s28+$0x10]  }
0xda: {  	v1 =	vadd.f32 v1, v0;
	v2 =	vld [tilespmem:s31+$0x0];
	v3 =	vsub.f32 v9, v3;
	v4 =	vmul.f32 v4, v4  }
0xdb: {  	v5 =	vld [tilespmem:s31+$0x10];
	s28 =	simm.s32 $0x1C760  }
0xdc: {  	v10 =	vsub.f32 v14, v10;
	v0 =	vld [tilespmem:s28+$0x0];
	v9 =	vmul.f32 v3, v3;
	v4 =	vadd.f32 v4, v1  }
0xdd: {  	v3 =	vld.idx.msk [tilespmem:v7+s3+$0x0], $0xffff  }
0xde: {  	v1 =	vld [tilespmem:s28+$0xFFFFFFF0];
	v8 =	vsub.f32 v8, v6;
	v7 =	vadd.f32 v9, v4;
	v9 =	vmul.f32 v10, v10  }
0xdf: {  	v6 =	vld [tilespmem:s28+$0xFFFFFFE0]  }
0xe0: {  	s29 =	simm.s32 $0x4;
	s30 =	simm.s32 $0x187A0;
	v4 =	vld.idx.msk [tilespmem:v11+s3+$0x0], $0xffff;
	v8 =	vmul.f32 v8, v8;
	v7 =	vadd.f32 v9, v7  }
.LBB2_10:
0xe1: {  	v9 =	vld [tilespmem:s30+$0xFFFFFFE0]  }
0xe2: {  	s29 =	sadd.s32 $0x4, s29;
	v10 =	vld.idx.msk [tilespmem:v2+s3+$0x0], $0xffff;
	v7 =	vadd.f32 v8, v7  }
0xe3: {  	p0 =	slt.u32 s29, $0xFC;
	v8 =	vld [tilespmem:s30+$0xFFFFFFF0]  }
0xe4: {  	v3 =	vsub.f32 v6, v3;
	v6 =	vld.idx.msk [tilespmem:v5+s3+$0x0], $0xffff  }
0xe5: {  	v11 =	vld [tilespmem:s28+$0x10]  }
0xe6: {  	v1 =	vsub.f32 v1, v4;
	s28 =	sadd.s32 $0x40, s28;
	v2 =	vld [tilespmem:s30+$0x0];
	v3 =	vmul.f32 v3, v3  }
0xe7: {  	v12 =	vld [tilespmem:s28+$0x0]  }
.Ltmp4:
0xe8: {  	v0 =	vsub.f32 v0, v10;
	v5 =	vld [tilespmem:s30+$0x10];
	v4 =	vadd.f32 v3, v7;
	v7 =	vmul.f32 v1, v1;
	(pc) =	sbr.rel @p0 .LBB2_10-.Ltmp4, $4  }
0xe9: {  	v1 =	vld [tilespmem:s28+$0xFFFFFFF0]  }
0xea: {  	v10 =	vmul.f32 v0, v0;
	v3 =	vld.idx.msk [tilespmem:v9+s3+$0x0], $0xffff;
	v7 =	vadd.f32 v7, v4;
	v9 =	vsub.f32 v11, v6  }
0xeb: {  	v6 =	vld [tilespmem:s28+$0xFFFFFFE0]  }
0xec: {  	s30 =	sadd.s32 $0x40, s30;
	v4 =	vld.idx.msk [tilespmem:v8+s3+$0x0], $0xffff;
	v7 =	vadd.f32 v10, v7;
	v8 =	vmul.f32 v9, v9;
	v0 =	vmov v12  }
0xed: {  	_ =	sdelay $0x3  }
0xee: {  	v2 =	vld.idx.msk [tilespmem:v2+s3+$0x0], $0xffff  }
0xef: {  	v5 =	vld.idx.msk [tilespmem:v5+s3+$0x0], $0xffff  }
0xf0: {  	v9 =	vld [tilespmem:s28+$0x10];
	[tilespmem:s18], [sflag:$0x3] =	stream.strided.gather [hbm4b:s12+s16], $0x1000, s17, s16, $0x38  }
0xf1: {  	_ =	swait.ge [sflag:s23], $0x1000  }
0xf2: {  	s0 =	simm.s32 $0x0;
	[sflag:s23] =	ssyncset.done $0x0  }
0xf3: {  	s0 =	sand.u32 $0xFC0, s0;
	[sflag:s23] =	ssyncadd.s32 $0xFFFFF000  }
0xf4: {  	v10 =	vld [tilespmem:s0+$0x19700]  }
0xf5: {  	s0 =	simm.s32 $0x19730  }
0xf6: {  	s29 =	simm.s32 $0x1D720;
	v11 =	vld [tilespmem:s0+$0xFFFFFFE0]  }
0xf7: {  	v13 =	vld [tilespmem:s29+$0x0]  }
0xf8: {  	v12 =	vld [tilespmem:s0+$0xFFFFFFF0]  }
0xf9: {  	v3 =	vsub.f32 v6, v3;
	v14 =	vld [tilespmem:s0+$0x0]  }
0xfa: {  	v6 =	vld [tilespmem:s29+$0xFFFFFFF0]  }
0xfb: {  	v7 =	vadd.f32 v8, v7;
	v1 =	vsub.f32 v1, v4;
	v4 =	vld [tilespmem:s29+$0xFFFFFFE0];
	v3 =	vmul.f32 v3, v3  }
0xfc: {  	s28 =	simm.s32 $0x19770;
	v10 =	vld.idx.msk [tilespmem:v10+s3+$0x0], $0xffff  }
0xfd: {  	s0 =	simm.s32 $0x40;
	v0 =	vsub.f32 v0, v2;
	v2 =	vld [tilespmem:s28+$0xFFFFFFE0];
	v1 =	vmul.f32 v1, v1;
	v3 =	vadd.f32 v3, v7  }
0xfe: {  	s0 =	sand.u32 $0xFC0, s0;
	v8 =	vld.idx.msk [tilespmem:v11+s3+$0x0], $0xffff  }
0xff: {  	v7 =	vld [tilespmem:s0+$0x19700];
	v0 =	vmul.f32 v0, v0;
	v1 =	vadd.f32 v1, v3;
	v3 =	vsub.f32 v9, v5  }
0x100: {  	v11 =	vld.idx.msk [tilespmem:v12+s3+$0x0], $0xffff  }
0x101: {  	v0 =	vadd.f32 v0, v1;
	v1 =	vmul.f32 v3, v3;
	v9 =	vld.idx.msk [tilespmem:v14+s3+$0x0], $0xffff;
	v4 =	vsub.f32 v4, v10  }
0x102: {  	v10 =	vld [tilespmem:s29+$0x10]  }
0x103: {  	v3 =	vld [tilespmem:s28+$0xFFFFFFF0];
	v1 =	vadd.f32 v1, v0;
	s29 =	simm.s32 $0x1D760;
	v6 =	vsub.f32 v6, v8;
	v4 =	vmul.f32 v4, v4  }
0x104: {  	v0 =	vld [tilespmem:s29+$0x0]  }
0x105: {  	v5 =	vld [tilespmem:s28+$0x0];
	v11 =	vsub.f32 v13, v11;
	v6 =	vmul.f32 v6, v6;
	v8 =	vadd.f32 v4, v1  }
0x106: {  	v1 =	vld [tilespmem:s29+$0xFFFFFFF0]  }
0x107: {  	v4 =	vld.idx.msk [tilespmem:v7+s3+$0x0], $0xffff;
	v9 =	vsub.f32 v10, v9;
	v7 =	vadd.f32 v6, v8;
	v8 =	vmul.f32 v11, v11  }
0x108: {  	s30 =	simm.s32 $0x4;
	s31 =	simm.s32 $0x80;
	v6 =	vld [tilespmem:s29+$0xFFFFFFE0]  }
.LBB2_12:
0x109: {  	s0 =	sand.u32 $0xFC0, s31;
	v10 =	vld.idx.msk [tilespmem:v2+s3+$0x0], $0xffff;
	v2 =	vadd.f32 v8, v7;
	v7 =	vmul.f32 v9, v9;
	v8 =	vmov v0  }
0x10a: {  	s30 =	sadd.s32 $0x4, s30;
	v9 =	vld [tilespmem:s0+$0x19700]  }
0x10b: {  	s28 =	sadd.s32 $0x40, s28;
	p0 =	slt.u32 s30, $0xFC;
	v11 =	vld.idx.msk [tilespmem:v3+s3+$0x0], $0xffff;
	v7 =	vadd.f32 v7, v2  }
0x10c: {  	v2 =	vld [tilespmem:s28+$0xFFFFFFE0]  }
0x10d: {  	v0 =	vsub.f32 v6, v4;
	v6 =	vld.idx.msk [tilespmem:v5+s3+$0x0], $0xffff  }
0x10e: {  	v12 =	vld [tilespmem:s29+$0x10]  }
0x10f: {  	v1 =	vsub.f32 v1, v10;
	s29 =	sadd.s32 $0x40, s29;
	v3 =	vld [tilespmem:s28+$0xFFFFFFF0];
	v4 =	vmul.f32 v0, v0  }
.Ltmp5:
0x110: {  	v0 =	vld [tilespmem:s29+$0x0];
	(pc) =	sbr.rel @p0 .LBB2_12-.Ltmp5, $4  }
0x111: {  	v10 =	vmul.f32 v1, v1;
	v8 =	vsub.f32 v8, v11;
	v5 =	vld [tilespmem:s28+$0x0];
	v7 =	vadd.f32 v4, v7  }
0x112: {  	v1 =	vld [tilespmem:s29+$0xFFFFFFF0]  }
0x113: {  	v8 =	vmul.f32 v8, v8;
	v4 =	vld.idx.msk [tilespmem:v9+s3+$0x0], $0xffff;
	v7 =	vadd.f32 v10, v7;
	v9 =	vsub.f32 v12, v6  }
0x114: {  	s31 =	sadd.s32 $0x40, s31;
	v6 =	vld [tilespmem:s29+$0xFFFFFFE0]  }
0x115: {  	_ =	sdelay $0x3  }
0x116: {  	v2 =	vld.idx.msk [tilespmem:v2+s3+$0x0], $0xffff  }
0x117: {  	v3 =	vld.idx.msk [tilespmem:v3+s3+$0x0], $0xffff  }
0x118: {  	v10 =	vld [tilespmem:s29+$0x10]  }
0x119: {  	v5 =	vld.idx.msk [tilespmem:v5+s3+$0x0], $0xffff;
	[tilespmem:s22], [sflag:$0x3] =	stream.strided.gather [hbm4b:s13+s16], $0x1000, s17, s16, $0x38  }
0x11a: {  	_ =	swait.ge [sflag:s23], $0x1000  }
0x11b: {  	s0 =	simm.s32 $0x0;
	[sflag:s23] =	ssyncset.done $0x0  }
0x11c: {  	s0 =	sand.u32 $0xFC0, s0;
	[sflag:s23] =	ssyncadd.s32 $0xFFFFF000  }
0x11d: {  	v11 =	vld [tilespmem:s0+$0x1A700]  }
0x11e: {  	s0 =	simm.s32 $0x1A730  }
0x11f: {  	s29 =	simm.s32 $0x1C720;
	v12 =	vld [tilespmem:s0+$0xFFFFFFE0]  }
0x120: {  	v14 =	vld [tilespmem:s29+$0x0]  }
0x121: {  	v13 =	vld [tilespmem:s0+$0xFFFFFFF0]  }
0x122: {  	v7 =	vadd.f32 v8, v7;
	v8 =	vmul.f32 v9, v9;
	v4 =	vsub.f32 v6, v4;
	v15 =	vld [tilespmem:s0+$0x0]  }
0x123: {  	v6 =	vld [tilespmem:s29+$0xFFFFFFF0]  }
0x124: {  	v7 =	vadd.f32 v8, v7;
	v1 =	vsub.f32 v1, v2;
	v8 =	vld [tilespmem:s29+$0xFFFFFFE0];
	v4 =	vmul.f32 v4, v4;
	s0 =	simm.s32 $0x40  }
0x125: {  	s0 =	sand.u32 $0xFC0, s0;
	v9 =	vld.idx.msk [tilespmem:v11+s3+$0x0], $0xffff  }
0x126: {  	v0 =	vsub.f32 v0, v3;
	v1 =	vmul.f32 v1, v1;
	v2 =	vadd.f32 v4, v7;
	v4 =	vld [tilespmem:s0+$0x1A700]  }
0x127: {  	s28 =	simm.s32 $0x1A770;
	v11 =	vld.idx.msk [tilespmem:v12+s3+$0x0], $0xffff  }
0x128: {  	v3 =	vsub.f32 v10, v5;
	v0 =	vmul.f32 v0, v0;
	v1 =	vadd.f32 v1, v2;
	v2 =	vld [tilespmem:s28+$0xFFFFFFE0]  }
0x129: {  	v7 =	vld.idx.msk [tilespmem:v13+s3+$0x0], $0xffff  }
0x12a: {  	v0 =	vadd.f32 v0, v1;
	v1 =	vmul.f32 v3, v3;
	v10 =	vld.idx.msk [tilespmem:v15+s3+$0x0], $0xffff;
	v5 =	vsub.f32 v8, v9  }
0x12b: {  	v9 =	vld [tilespmem:s29+$0x10]  }
0x12c: {  	v3 =	vld [tilespmem:s28+$0xFFFFFFF0];
	v1 =	vadd.f32 v1, v0;
	s29 =	simm.s32 $0x1C760;
	v6 =	vsub.f32 v6, v11;
	v8 =	vmul.f32 v5, v5  }
0x12d: {  	v0 =	vld [tilespmem:s29+$0x0]  }
0x12e: {  	v11 =	vsub.f32 v14, v7;
	v5 =	vld [tilespmem:s28+$0x0];
	v6 =	vmul.f32 v6, v6;
	v8 =	vadd.f32 v8, v1  }
0x12f: {  	v4 =	vld.idx.msk [tilespmem:v4+s3+$0x0], $0xffff  }
0x130: {  	v1 =	vld [tilespmem:s29+$0xFFFFFFF0];
	v9 =	vsub.f32 v9, v10;
	v7 =	vadd.f32 v6, v8;
	v8 =	vmul.f32 v11, v11  }
0x131: {  	s30 =	simm.s32 $0x4;
	s31 =	simm.s32 $0x80;
	v6 =	vld [tilespmem:s29+$0xFFFFFFE0]  }
.LBB2_14:
0x132: {  	s0 =	sand.u32 $0xFC0, s31;
	v10 =	vld.idx.msk [tilespmem:v2+s3+$0x0], $0xffff;
	v2 =	vadd.f32 v8, v7;
	v7 =	vmul.f32 v9, v9;
	v8 =	vmov v0  }
0x133: {  	s30 =	sadd.s32 $0x4, s30;
	v9 =	vld [tilespmem:s0+$0x1A700]  }
0x134: {  	s28 =	sadd.s32 $0x40, s28;
	p0 =	slt.u32 s30, $0xFC;
	v11 =	vld.idx.msk [tilespmem:v3+s3+$0x0], $0xffff;
	v7 =	vadd.f32 v7, v2  }
0x135: {  	v2 =	vld [tilespmem:s28+$0xFFFFFFE0]  }
0x136: {  	v0 =	vsub.f32 v6, v4;
	v6 =	vld.idx.msk [tilespmem:v5+s3+$0x0], $0xffff  }
0x137: {  	v12 =	vld [tilespmem:s29+$0x10]  }
0x138: {  	v1 =	vsub.f32 v1, v10;
	s29 =	sadd.s32 $0x40, s29;
	v3 =	vld [tilespmem:s28+$0xFFFFFFF0];
	v4 =	vmul.f32 v0, v0  }
.Ltmp6:
0x139: {  	v0 =	vld [tilespmem:s29+$0x0];
	(pc) =	sbr.rel @p0 .LBB2_14-.Ltmp6, $4  }
0x13a: {  	v10 =	vmul.f32 v1, v1;
	v8 =	vsub.f32 v8, v11;
	v5 =	vld [tilespmem:s28+$0x0];
	v7 =	vadd.f32 v4, v7  }
0x13b: {  	v1 =	vld [tilespmem:s29+$0xFFFFFFF0]  }
0x13c: {  	v8 =	vmul.f32 v8, v8;
	v4 =	vld.idx.msk [tilespmem:v9+s3+$0x0], $0xffff;
	v7 =	vadd.f32 v10, v7;
	v9 =	vsub.f32 v12, v6  }
0x13d: {  	s31 =	sadd.s32 $0x40, s31;
	v6 =	vld [tilespmem:s29+$0xFFFFFFE0]  }
0x13e: {  	_ =	sdelay $0x3  }
0x13f: {  	v2 =	vld.idx.msk [tilespmem:v2+s3+$0x0], $0xffff  }
0x140: {  	v3 =	vld.idx.msk [tilespmem:v3+s3+$0x0], $0xffff  }
0x141: {  	v10 =	vld [tilespmem:s29+$0x10]  }
0x142: {  	v5 =	vld.idx.msk [tilespmem:v5+s3+$0x0], $0xffff;
	_ =	swait.ge [sflag:s23], $0x1000  }
0x143: {  	s0 =	simm.s32 $0x0;
	[sflag:s23] =	ssyncset.done $0x0  }
0x144: {  	s0 =	sand.u32 $0xFC0, s0;
	[sflag:s23] =	ssyncadd.s32 $0xFFFFF000  }
0x145: {  	v11 =	vld [tilespmem:s0+$0x1B700]  }
0x146: {  	s0 =	simm.s32 $0x1B730  }
0x147: {  	s29 =	simm.s32 $0x1D720;
	v12 =	vld [tilespmem:s0+$0xFFFFFFE0]  }
0x148: {  	v14 =	vld [tilespmem:s29+$0x0]  }
0x149: {  	v7 =	vadd.f32 v8, v7;
	v8 =	vmul.f32 v9, v9;
	v13 =	vld [tilespmem:s0+$0xFFFFFFF0]  }
0x14a: {  	v4 =	vsub.f32 v6, v4;
	v15 =	vld [tilespmem:s0+$0x0]  }
0x14b: {  	v7 =	vadd.f32 v8, v7;
	v6 =	vld [tilespmem:s29+$0xFFFFFFF0]  }
0x14c: {  	v1 =	vsub.f32 v1, v2;
	v2 =	vld [tilespmem:s29+$0xFFFFFFE0];
	v0 =	vsub.f32 v0, v3;
	v4 =	vmul.f32 v4, v4  }
0x14d: {  	s28 =	simm.s32 $0x1B770;
	v9 =	vld.idx.msk [tilespmem:v11+s3+$0x0], $0xffff  }
0x14e: {  	s0 =	simm.s32 $0x40;
	v1 =	vmul.f32 v1, v1;
	v3 =	vmul.f32 v0, v0;
	v0 =	vld [tilespmem:s28+$0xFFFFFFE0];
	v4 =	vadd.f32 v4, v7  }
0x14f: {  	s0 =	sand.u32 $0xFC0, s0;
	v8 =	vld.idx.msk [tilespmem:v12+s3+$0x0], $0xffff  }
0x150: {  	v7 =	vld [tilespmem:s0+$0x1B700];
	v1 =	vadd.f32 v1, v4;
	v4 =	vsub.f32 v10, v5  }
0x151: {  	v11 =	vld.idx.msk [tilespmem:v13+s3+$0x0], $0xffff  }
0x152: {  	v3 =	vadd.f32 v3, v1;
	v4 =	vmul.f32 v4, v4;
	v10 =	vld.idx.msk [tilespmem:v15+s3+$0x0], $0xffff;
	v2 =	vsub.f32 v2, v9  }
0x153: {  	v9 =	vld [tilespmem:s29+$0x10]  }
0x154: {  	v1 =	vld [tilespmem:s28+$0xFFFFFFF0];
	v5 =	vadd.f32 v4, v3;
	s29 =	simm.s32 $0x1D760;
	v6 =	vsub.f32 v6, v8;
	v2 =	vmul.f32 v2, v2  }
0x155: {  	v4 =	vld [tilespmem:s29+$0x0]  }
0x156: {  	v3 =	vld [tilespmem:s28+$0x0];
	v11 =	vsub.f32 v14, v11;
	v6 =	vmul.f32 v6, v6;
	v8 =	vadd.f32 v2, v5  }
0x157: {  	v2 =	vld [tilespmem:s29+$0xFFFFFFF0]  }
0x158: {  	v5 =	vld.idx.msk [tilespmem:v7+s3+$0x0], $0xffff;
	v9 =	vsub.f32 v9, v10;
	v7 =	vadd.f32 v6, v8;
	v8 =	vmul.f32 v11, v11  }
0x159: {  	s30 =	simm.s32 $0x4;
	s31 =	simm.s32 $0x80;
	v6 =	vld [tilespmem:s29+$0xFFFFFFE0]  }
.LBB2_16:
0x15a: {  	s0 =	sand.u32 $0xFC0, s31;
	v10 =	vld.idx.msk [tilespmem:v0+s3+$0x0], $0xffff;
	v0 =	vadd.f32 v8, v7;
	v7 =	vmul.f32 v9, v9;
	v8 =	vmov v4  }
0x15b: {  	s30 =	sadd.s32 $0x4, s30;
	v9 =	vld [tilespmem:s0+$0x1B700]  }
0x15c: {  	s28 =	sadd.s32 $0x40, s28;
	p0 =	slt.u32 s30, $0xFC;
	v11 =	vld.idx.msk [tilespmem:v1+s3+$0x0], $0xffff;
	v7 =	vadd.f32 v7, v0  }
0x15d: {  	v0 =	vld [tilespmem:s28+$0xFFFFFFE0]  }
0x15e: {  	v4 =	vsub.f32 v6, v5;
	v6 =	vld.idx.msk [tilespmem:v3+s3+$0x0], $0xffff  }
0x15f: {  	v12 =	vld [tilespmem:s29+$0x10]  }
0x160: {  	v2 =	vsub.f32 v2, v10;
	s29 =	sadd.s32 $0x40, s29;
	v1 =	vld [tilespmem:s28+$0xFFFFFFF0];
	v5 =	vmul.f32 v4, v4  }
.Ltmp7:
0x161: {  	v4 =	vld [tilespmem:s29+$0x0];
	(pc) =	sbr.rel @p0 .LBB2_16-.Ltmp7, $4  }
0x162: {  	v10 =	vmul.f32 v2, v2;
	v8 =	vsub.f32 v8, v11;
	v3 =	vld [tilespmem:s28+$0x0];
	v7 =	vadd.f32 v5, v7  }
0x163: {  	v2 =	vld [tilespmem:s29+$0xFFFFFFF0]  }
0x164: {  	v8 =	vmul.f32 v8, v8;
	v5 =	vld.idx.msk [tilespmem:v9+s3+$0x0], $0xffff;
	v7 =	vadd.f32 v10, v7;
	v9 =	vsub.f32 v12, v6  }
0x165: {  	s31 =	sadd.s32 $0x40, s31;
	v6 =	vld [tilespmem:s29+$0xFFFFFFE0]  }
0x166: {  	_ =	sdelay $0x3  }
0x167: {  	v0 =	vld.idx.msk [tilespmem:v0+s3+$0x0], $0xffff;
	_ =	sdelay $0x1  }
0x168: {  	v1 =	vld.idx.msk [tilespmem:v1+s3+$0x0], $0xffff  }
0x169: {  	v7 =	vadd.f32 v8, v7;
	v59 =	vmul.f32 v9, v9;
	v60 =	vld [tilespmem:s29+$0x10];
	v5 =	vsub.f32 v6, v5  }
0x16a: {  	v3 =	vld.idx.msk [tilespmem:v3+s3+$0x0], $0xffff  }
0x16b: {  	v7 =	vadd.f32 v59, v7;
	v0 =	vsub.f32 v2, v0;
	v5 =	vmul.f32 v5, v5;
	_ =	sdelay $0x1  }
0x16c: {  	v1 =	vsub.f32 v4, v1;
	v0 =	vmul.f32 v0, v0;
	v61 =	vadd.f32 v5, v7;
	_ =	sdelay $0x1  }
0x16d: {  	v62 =	vsub.f32 v60, v3;
	v1 =	vmul.f32 v1, v1;
	v0 =	vadd.f32 v0, v61;
	_ =	sdelay $0x1  }
0x16e: {  	v63 =	vmul.f32 v62, v62;
	v0 =	vadd.f32 v1, v0;
	_ =	sdelay $0x1  }
0x16f: {  	s26 =	sadd.s32 $0x1, s26;
	v0 =	vadd.f32 v63, v0  }
0x170: {  	p0 =	sne.s32 s26, s15  }
.Ltmp8:
0x171: {  	[tilespmem:$0x1E700] =	vst v0;
	(pc) =	sbr.rel @p0 .LBB2_1-.Ltmp8, $4  }
0x172: {  	[hbm4b:s14+s3] =	stream.linear.scatter [tilespmem:s24], [sflag:$0x4], $0x80, $0x38;
	[tilespmem:$0x1E780] =	vst v63  }
0x173: {  	_ =	swait.ge [sflag:s25], $0x80  }
0x174: {  	[sflag:s25] =	ssyncset.done $0x0  }
0x175: {  	[sflag:s25] =	ssyncadd.s32 $0xFFFFFF80  }
0x176: {  	_ =	sfence.sel $0x180000  }
0x177: {  	[bflag:$0x0] =	sbarrier.arrive $0xFFFF  }
0x178: {  	_ =	strace $0x90000047  }
0x179: {  	[bflag:$0x2] =	sbarrier.arrive $0xFFFF  }
0x17a: {  	p0 =	sne.s32 s1, $0x0;
	s0 =	rddreg [dreg:$0x4]  }
0x17b: {  	s0 =	sadd.s32 @!p0 $0x100000, s0  }
0x17c: {  	[sflag:s0] =	ssyncadd.tile.s32 @!p0 $0x1;
	_ =	shalt  }
.Lfunc_end2:
_tile_overlayer_lowered:
.L_overlay_start_2:
0x17d: {  	(tag) =	ssettag $0x2  }
0x17e: {  	s0 =	rddreg [dreg:$0x0];
	s2 =	stileid.u32  }
0x17f: {  	s1 =	rddreg [dreg:$0x1];
	p0 =	sne.s32 s2, $0x0  }
0x180: {  	s3 =	rddreg [dreg:$0x2];
	[bflag:$0x3] =	sbarrier.arrive $0xFFFF;
	s2 =	simm.s32 @!p0 $0x1C04  }
0x181: {  	[timem:s3], [sflag:s2] =	dma.local @!p0 [hbm:s0], s1  }
0x182: {  	s0 =	simm.s32 @!p0 $0x4  }
0x183: {  	_ =	swait.ge @!p0 [sflag:s0], s1  }
0x184: {  	s1 =	ssub.s32 @!p0 $0x0, s1;
	[sflag:s0] =	ssyncset.done @!p0 $0x0  }
0x185: {  	[sflag:s0] =	ssyncadd.s32 @!p0 s1  }
0x186: {  	[bflag:$0x3] =	sbarrier.arrive $0xFFFF  }
0x187: {  	_ =	shalt  }

</sc_bundles>
